<compile_context>
chip_gen: v7x
topology: tpu7x:2x2x1
jax: 0.10.2.dev20260603
libtpu: 0.0.44.dev20260713+nightly
codegen_flags: <defaults>
</compile_context>

<pallas_src>
import jax
import jax.numpy as jnp
from jax import lax
from jax.experimental import pallas as pl
from jax.experimental.pallas import tpu as pltpu
from jax.experimental.pallas import tpu_sc as plsc

N = 10000
E = 320000
D = 128
NC = 2
NS = 16
NW = NC * NS
CHUNK = 80
NP = 10240
GRP = 8
CH = 128
NG = CH // GRP
EPW = CH * CHUNK
ROWS_PER_TILE = NP // NS


def _mesh():
    return plsc.VectorSubcoreMesh(core_axis_name="c", subcore_axis_name="s")


def _count_body(dst_hbm, out_hbm, idx_v, acc_v):
    c = lax.axis_index("c")
    s = lax.axis_index("s")
    wid = c * NS + s
    pltpu.sync_copy(dst_hbm.at[wid], idx_v)

    def zero(i, carry):
        acc_v[pl.ds(pl.multiple_of(i * 16, 16), 16)] = jnp.zeros((16,), jnp.float32)
        return carry

    lax.fori_loop(0, NP // 16, zero, 0)
    ones = jnp.ones((16,), jnp.float32)

    def body(i, carry):
        idx = idx_v[pl.ds(pl.multiple_of(i * 16, 16), 16)]
        plsc.addupdate_scatter(acc_v, [idx], ones)
        return carry

    lax.fori_loop(0, EPW // 16, body, 0)
    pltpu.sync_copy(acc_v, out_hbm.at[wid])


def _sc_count(dst2):
    return pl.kernel(
        _count_body,
        out_type=jax.ShapeDtypeStruct((NW, NP), jnp.float32),
        mesh=_mesh(),
        scratch_types=[
            pltpu.VMEM((EPW,), jnp.int32),
            pltpu.VMEM((NP,), jnp.float32),
        ],
        compiler_params=pltpu.CompilerParams(needs_layout_passes=False),
    )(dst2)


def _scatter_body(g_hbm, src_hbm, dst_hbm, zeros_hbm, out_hbm,
                  isrc_v, idst_v, rows_v, accum_sh, gsems, ssem, isem):
    c = lax.axis_index("c")
    s = lax.axis_index("s")
    wid = c * NS + s
    sl = pl.ds(s * ROWS_PER_TILE, ROWS_PER_TILE)

    def idx_group(grp, pbuf):
        return (
            pltpu.make_async_copy(
                src_hbm.at[wid, pl.ds(grp * GRP, GRP)], isrc_v.at[pbuf], isem),
            pltpu.make_async_copy(
                dst_hbm.at[wid, pl.ds(grp * GRP, GRP)], idst_v.at[pbuf], isem),
        )

    def gather_desc(pg, k, buf, par):
        return pltpu.make_async_copy(
            g_hbm.at[isrc_v.at[pg, k]], rows_v.at[buf], gsems.at[par])

    def scatter_desc(pg, k, buf):
        return pltpu.make_async_copy(
            rows_v.at[buf], accum_sh.at[idst_v.at[pg, k]], ssem)

    for d_ in idx_group(0, 0):
        d_.start()
    pltpu.sync_copy(zeros_hbm.at[sl], accum_sh.at[sl])
    for d_ in idx_group(0, 0):
        d_.wait()
    for d_ in idx_group(1, 1):
        d_.start()
    gather_desc(0, 0, 0, 0).start()
    gather_desc(0, 1, 1, 1).start()
    gather_desc(0, 2, 2, 2).start()
    plsc.subcore_barrier()

    def body(j, carry):
        grp = lax.div(j, GRP)
        k = lax.rem(j, GRP)
        pg = lax.rem(grp, 2)
        buf = lax.rem(j, 4)
        par = lax.rem(j, 3)

        @pl.when(jnp.logical_and(jnp.logical_and(k == 0, j > 0), grp + 1 < NG))
        def _():
            for d_ in idx_group(grp + 1, lax.rem(grp + 1, 2)):
                d_.start()

        @pl.when(j > 0)
        def _():
            jm = j - 1
            scatter_desc(lax.rem(lax.div(jm, GRP), 2), lax.rem(jm, GRP),
                         lax.rem(jm, 4)).wait()

        gather_desc(pg, k, buf, par).wait()

        @pl.when(j + 3 < CH)
        def _():
            j3 = j + 3
            g3 = lax.div(j3, GRP)
            k3 = lax.rem(j3, GRP)

            @pl.when(k3 == 0)
            def _():
                for d_ in idx_group(g3, lax.rem(g3, 2)):
                    d_.wait()

            gather_desc(lax.rem(g3, 2), k3, lax.rem(j3, 4), lax.rem(j3, 3)).start()

        scatter_desc(pg, k, buf).start(add=True)
        return carry

    lax.fori_loop(0, CH, body, 0)
    jm = CH - 1
    scatter_desc((jm // GRP) % 2, jm % GRP, jm % 4).wait()
    plsc.subcore_barrier()
    pltpu.sync_copy(accum_sh.at[sl], out_hbm.at[c, sl])


def _sc_scatter(g, src3, dst3, zeros):
    return pl.kernel(
        _scatter_body,
        out_type=jax.ShapeDtypeStruct((NC, NP, D), jnp.float32),
        mesh=_mesh(),
        scratch_types=[
            pltpu.VMEM((2, GRP, CHUNK), jnp.int32),
            pltpu.VMEM((2, GRP, CHUNK), jnp.int32),
            pltpu.VMEM((4, CHUNK, D), jnp.float32),
            pltpu.VMEM_SHARED((NP, D), jnp.float32),
            pltpu.SemaphoreType.DMA((3,)),
            pltpu.SemaphoreType.DMA,
            pltpu.SemaphoreType.DMA,
        ],
    )(g, src3, dst3, zeros)


BM = 5120


def _dinv_of(cnt_ref):
    ones = jnp.ones((NW, 1), jnp.float32)
    deg = lax.dot_general(cnt_ref[...], ones, (((0,), (0,)), ((), ())),
                          preferred_element_type=jnp.float32) + 1.0
    return lax.rsqrt(deg)


def _stage_a_body(x_ref, w_ref, cnt_ref, o_ref):
    dinv = _dinv_of(cnt_ref)
    h = jnp.dot(x_ref[...], w_ref[...], preferred_element_type=jnp.float32)
    o_ref[...] = h * dinv


def _stage_b_body(p_ref, g_ref, cnt_ref, b_ref, w_ref, o_ref, dinv_ref):
    dinv = _dinv_of(cnt_ref)
    dinv_ref[...] = dinv
    s1 = p_ref[0] + p_ref[1] + g_ref[...]
    h1 = jnp.maximum(dinv * s1 + b_ref[...], 0.0)
    o_ref[...] = jnp.dot(h1, w_ref[...], preferred_element_type=jnp.float32) * dinv


def _stage_c_body(p_ref, g_ref, dinv_ref, b_ref, w_ref, bc_ref, o_ref):
    dinv = dinv_ref[...]
    agg = dinv * (p_ref[0] + p_ref[1] + g_ref[...]) + b_ref[...]
    o_ref[...] = (
        jnp.dot(agg, w_ref[...], preferred_element_type=jnp.float32) + bc_ref[...]
    )


def _row_spec(width):
    return pl.BlockSpec((BM, width), lambda i: (i, 0))


_CNT_SPEC = pl.BlockSpec((NW, BM), lambda i: (0, i))
_PART_SPEC = pl.BlockSpec((NC, BM, D), lambda i: (0, i, 0))
_W_SPEC = pl.BlockSpec((D, D), lambda i: (0, 0))
_B_SPEC = pl.BlockSpec((1, D), lambda i: (0, 0))


def _stage_a(x, W1, cnt):
    return pl.pallas_call(
        _stage_a_body,
        grid=(NP // BM,),
        in_specs=[_row_spec(D), _W_SPEC, _CNT_SPEC],
        out_specs=_row_spec(D),
        out_shape=jax.ShapeDtypeStruct((NP, D), jnp.float32),
    )(x, W1, cnt)


def _stage_b(p, g, cnt, b1, W2):
    return pl.pallas_call(
        _stage_b_body,
        grid=(NP // BM,),
        in_specs=[_PART_SPEC, _row_spec(D), _CNT_SPEC, _B_SPEC, _W_SPEC],
        out_specs=[_row_spec(D), pl.BlockSpec((BM, 1), lambda i: (i, 0))],
        out_shape=[jax.ShapeDtypeStruct((NP, D), jnp.float32),
                   jax.ShapeDtypeStruct((NP, 1), jnp.float32)],
    )(p, g, cnt, b1, W2)


def _stage_c(p, g, dinv, b2, Wc, bc):
    n_classes = Wc.shape[1]
    bm = N // 2
    return pl.pallas_call(
        _stage_c_body,
        grid=(2,),
        in_specs=[
            pl.BlockSpec((NC, bm, D), lambda i: (0, i, 0)),
            pl.BlockSpec((bm, D), lambda i: (i, 0)),
            pl.BlockSpec((bm, 1), lambda i: (i, 0)),
            _B_SPEC,
            pl.BlockSpec((D, n_classes), lambda i: (0, 0)),
            pl.BlockSpec((1, n_classes), lambda i: (0, 0)),
        ],
        out_specs=pl.BlockSpec((bm, n_classes), lambda i: (i, 0)),
        out_shape=jax.ShapeDtypeStruct((N, n_classes), jnp.float32),
    )(p, g, dinv, b2, Wc, bc)


def kernel(x, edge_index, W1, b1, W2, b2, Wc, bc):
    n_classes = Wc.shape[1]
    src2 = edge_index[0].reshape(NW, E // NW)
    dst2 = edge_index[1].reshape(NW, E // NW)
    pad_w = EPW - E // NW
    pad_src = jnp.broadcast_to((jnp.arange(pad_w, dtype=jnp.int32) * 41) % N,
                               (NW, pad_w))
    pad_dst = jnp.broadcast_to(N + jnp.arange(pad_w, dtype=jnp.int32) % (NP - N),
                               (NW, pad_w))
    src3 = jnp.concatenate([src2, pad_src], axis=1).reshape(NW, CH, CHUNK)
    dst3 = jnp.concatenate([dst2, pad_dst], axis=1).reshape(NW, CH, CHUNK)

    zeros_d = jnp.zeros((NP, D), jnp.float32)
    b1r = b1.reshape(1, D)
    b2r = b2.reshape(1, D)
    bcr = bc.reshape(1, n_classes)

    cnt = _sc_count(dst3.reshape(NW, EPW))
    g1 = _stage_a(x, W1, cnt)
    p1 = _sc_scatter(g1, src3, dst3, zeros_d)
    g2, dinv = _stage_b(p1, g1, cnt, b1r, W2)
    p2 = _sc_scatter(g2, src3, dst3, zeros_d)
    return _stage_c(p2, g2, dinv, b2r, Wc, bcr)

# --- scband reference (transcript-rebuilt; emitter-appended) ---
"""Pipeline reference for scband-node-classifier-18915035972103 (READ-ONLY COPY).

The authoritative reference and input builder live on the scoring server;
editing this copy changes nothing except your own understanding.
"""

import jax, jax.numpy as jnp
import numpy as np

N = 10000
E = 320000
D_IN = 128
D_HID = 128
D_OUT = 128
N_CLASSES = 40


def _init_linear(key, fan_in, fan_out):
    kw, kb = jax.random.split(key)
    scale = 1.0 / np.sqrt(fan_in)
    W = jax.random.uniform(kw, (fan_in, fan_out), minval=-scale, maxval=scale, dtype=jnp.float32)
    b = jax.random.uniform(kb, (fan_out,), minval=-scale, maxval=scale, dtype=jnp.float32)
    return W, b


def setup_inputs(seed: int = 0) -> dict:
    key = jax.random.key(seed)
    ks = jax.random.split(key, 5)
    x = jax.random.normal(ks[0], (N, D_IN), dtype=jnp.float32)
    edge_index = jax.random.randint(ks[1], (2, E), 0, N, dtype=jnp.int32)
    W1, b1 = _init_linear(ks[2], D_IN, D_HID)
    W2, b2 = _init_linear(ks[3], D_HID, D_OUT)
    Wc, bc = _init_linear(ks[4], D_OUT, N_CLASSES)
    return {"x": x, "edge_index": edge_index, "W1": W1, "b1": b1, "W2": W2, "b2": b2, "Wc": Wc, "bc": bc}


def _gcn_conv(x, edge_index, W, b):
    n = x.shape[0]
    src = edge_index[0]
    dst = edge_index[1]
    loop = jnp.arange(n, dtype=src.dtype)
    src = jnp.concatenate([src, loop], axis=0)
    dst = jnp.concatenate([dst, loop], axis=0)
    # symmetric normalization with self-loops: D^{-1/2} (A + I) D^{-1/2}
    deg = jnp.zeros((n,), dtype=x.dtype).at[dst].add(1.0)
    dinv = jax.lax.rsqrt(jnp.maximum(deg, 1.0))
    norm = dinv[src] * dinv[dst]
    h = x @ W
    msg = h[src] * norm[:, None]
    agg = jax.ops.segment_sum(msg, dst, num_segments=n)
    return agg + b


def reference(x, edge_index, W1, b1, W2, b2, Wc, bc):
    # GCNEncoder (2 layers, eval mode -> dropout is identity)
    h = _gcn_conv(x, edge_index, W1, b1)
    h = jax.nn.relu(h)
    h = _gcn_conv(h, edge_index, W2, b2)
    # classifier head
    logits = h @ Wc + bc
    return logits

if __name__ == "__main__":
    import jax
    _d = setup_inputs()
    print(jax.jit(kernel)(*tuple(_d.values())))

</pallas_src>

<mosaic_0001>
#map = affine_map<(d0, d1) -> (0, 0)>
module attributes {stable_mosaic.version = 14 : i64} {
  func.func @_count_body(%arg0: i32, %arg1: i32, %arg2: memref<32x10240xi32, #tpu.memory_space<hbm>>, %arg3: memref<32x10240xf32, #tpu.memory_space<hbm>>, %arg4: memref<10240xi32, #tpu.memory_space<vmem>>, %arg5: memref<10240xf32, #tpu.memory_space<vmem>>) attributes {dimension_semantics = [#tpu.dimension_semantics<core_parallel>, #tpu.dimension_semantics<subcore_parallel>], iteration_bounds = array<i64: 2, 16>, scalar_prefetch = 0 : i64, scratch_operands = 2 : i64, tpu.core_type = #tpu.core_type<sc_vector_subcore>, window_params = [{transform_indices = #map}, {transform_indices = #map}]} {
    %mul3A = arith.constant 16 : i32
    %mul3A_0 = arith.muli %arg0, %mul3A : i32
    %add3A = arith.addi %mul3A_0, %arg1 : i32
    "tpu.region"() ({
      %run_scoped3A = tpu.sem_alloc : memref<!tpu.dma_semaphore, #tpu.memory_space<semaphore_mem>>
      %dma_start3A = arith.constant 0 : i32
      %dma_start3A_13 = tpu.memref_slice %arg2[%add3A, %dma_start3A] : memref<32x10240xi32, #tpu.memory_space<hbm>> -> memref<1x10240xi32, #tpu.memory_space<hbm>>
      %dma_start3A_14 = tpu.memref_squeeze %dma_start3A_13 : memref<1x10240xi32, #tpu.memory_space<hbm>> -> memref<10240xi32, #tpu.memory_space<hbm>>
      %dma_start3A_15 = arith.constant 0 : i32
      %dma_start3A_16 = tpu.memref_slice %arg2[%add3A, %dma_start3A_15] : memref<32x10240xi32, #tpu.memory_space<hbm>> -> memref<1x10240xi32, #tpu.memory_space<hbm>>
      %dma_start3A_17 = tpu.memref_squeeze %dma_start3A_16 : memref<1x10240xi32, #tpu.memory_space<hbm>> -> memref<10240xi32, #tpu.memory_space<hbm>>
      tpu.enqueue_dma source(%dma_start3A_17 : memref<10240xi32, #tpu.memory_space<hbm>>) target(%arg4 : memref<10240xi32, #tpu.memory_space<vmem>>) target_semaphore(%run_scoped3A : memref<!tpu.dma_semaphore, #tpu.memory_space<semaphore_mem>>)
      %dma_wait3A = arith.constant 0 : i32
      %dma_wait3A_18 = tpu.memref_slice %arg2[%add3A, %dma_wait3A] : memref<32x10240xi32, #tpu.memory_space<hbm>> -> memref<1x10240xi32, #tpu.memory_space<hbm>>
      %dma_wait3A_19 = tpu.memref_squeeze %dma_wait3A_18 : memref<1x10240xi32, #tpu.memory_space<hbm>> -> memref<10240xi32, #tpu.memory_space<hbm>>
      %dma_wait3A_20 = arith.constant 0 : i32
      %dma_wait3A_21 = tpu.memref_slice %arg2[%add3A, %dma_wait3A_20] : memref<32x10240xi32, #tpu.memory_space<hbm>> -> memref<1x10240xi32, #tpu.memory_space<hbm>>
      %dma_wait3A_22 = tpu.memref_squeeze %dma_wait3A_21 : memref<1x10240xi32, #tpu.memory_space<hbm>> -> memref<10240xi32, #tpu.memory_space<hbm>>
      tpu.wait_dma2 semaphore(%run_scoped3A : memref<!tpu.dma_semaphore, #tpu.memory_space<semaphore_mem>>) src(%dma_wait3A_22 : memref<10240xi32, #tpu.memory_space<hbm>>) dst(%arg4 : memref<10240xi32, #tpu.memory_space<vmem>>)
      tpu.yield
    }) : () -> ()
    %scan3A = arith.constant 0 : i32
    %scan3A_1 = arith.constant 0 : i32
    %scan3A_2 = arith.constant 640 : i32
    %scan3A_3 = arith.addi %scan3A_1, %scan3A_2 : i32
    %scan3A_4 = arith.constant 1 : i32
    scf.for %scan3A_13 = %scan3A_1 to %scan3A_3 step %scan3A_4  : i32 {
      %broadcast_in_dim3A_14 = arith.constant 0.000000e+00 : f32
      %broadcast_in_dim3A_15 = vector.broadcast %broadcast_in_dim3A_14 : f32 to vector<16xf32>
      %mul3A_16 = arith.constant 16 : i32
      %mul3A_17 = arith.muli %scan3A_13, %mul3A_16 : i32
      %multiple_of3A = tpu.assume_multiple %mul3A_17, 16 : i32
      %swap3A = arith.index_cast %multiple_of3A : i32 to index
      %swap3A_18 = tpu.vector_load %arg5[%swap3A] {strides = array<i32>} : memref<10240xf32, #tpu.memory_space<vmem>>, vector<16xf32>,
      tpu.vector_store %arg5[%swap3A], %broadcast_in_dim3A_15 {strides = array<i32>} : memref<10240xf32, #tpu.memory_space<vmem>>, vector<16xf32>,
    }
    %scan3A_5 = arith.constant 640 : i32
    %broadcast_in_dim3A = arith.constant 1.000000e+00 : f32
    %broadcast_in_dim3A_6 = vector.broadcast %broadcast_in_dim3A : f32 to vector<16xf32>
    %scan3A_7 = arith.constant 0 : i32
    %scan3A_8 = arith.constant 0 : i32
    %scan3A_9 = arith.constant 640 : i32
    %scan3A_10 = arith.addi %scan3A_8, %scan3A_9 : i32
    %scan3A_11 = arith.constant 1 : i32
    scf.for %scan3A_13 = %scan3A_8 to %scan3A_10 step %scan3A_11  : i32 {
      %mul3A_14 = arith.constant 16 : i32
      %mul3A_15 = arith.muli %scan3A_13, %mul3A_14 : i32
      %multiple_of3A = tpu.assume_multiple %mul3A_15, 16 : i32
      %get3A = arith.index_cast %multiple_of3A : i32 to index
      %get3A_16 = tpu.vector_load %arg4[%get3A] {strides = array<i32>} : memref<10240xi32, #tpu.memory_space<vmem>>, vector<16xi32>,
      tpu.vector_store_idx %arg5[%get3A_16], %broadcast_in_dim3A_6 {add = true} : memref<10240xf32, #tpu.memory_space<vmem>>[vector<16xi32>], vector<16xf32>,
    }
    %scan3A_12 = arith.constant 640 : i32
    "tpu.region"() ({
      %run_scoped3A = tpu.sem_alloc : memref<!tpu.dma_semaphore, #tpu.memory_space<semaphore_mem>>
      %dma_start3A = arith.constant 0 : i32
      %dma_start3A_13 = tpu.memref_slice %arg3[%add3A, %dma_start3A] : memref<32x10240xf32, #tpu.memory_space<hbm>> -> memref<1x10240xf32, #tpu.memory_space<hbm>>
      %dma_start3A_14 = tpu.memref_squeeze %dma_start3A_13 : memref<1x10240xf32, #tpu.memory_space<hbm>> -> memref<10240xf32, #tpu.memory_space<hbm>>
      %dma_start3A_15 = arith.constant 0 : i32
      %dma_start3A_16 = tpu.memref_slice %arg3[%add3A, %dma_start3A_15] : memref<32x10240xf32, #tpu.memory_space<hbm>> -> memref<1x10240xf32, #tpu.memory_space<hbm>>
      %dma_start3A_17 = tpu.memref_squeeze %dma_start3A_16 : memref<1x10240xf32, #tpu.memory_space<hbm>> -> memref<10240xf32, #tpu.memory_space<hbm>>
      tpu.enqueue_dma source(%arg5 : memref<10240xf32, #tpu.memory_space<vmem>>) target(%dma_start3A_17 : memref<10240xf32, #tpu.memory_space<hbm>>) target_semaphore(%run_scoped3A : memref<!tpu.dma_semaphore, #tpu.memory_space<semaphore_mem>>)
      %dma_wait3A = arith.constant 0 : i32
      %dma_wait3A_18 = tpu.memref_slice %arg3[%add3A, %dma_wait3A] : memref<32x10240xf32, #tpu.memory_space<hbm>> -> memref<1x10240xf32, #tpu.memory_space<hbm>>
      %dma_wait3A_19 = tpu.memref_squeeze %dma_wait3A_18 : memref<1x10240xf32, #tpu.memory_space<hbm>> -> memref<10240xf32, #tpu.memory_space<hbm>>
      %dma_wait3A_20 = arith.constant 0 : i32
      %dma_wait3A_21 = tpu.memref_slice %arg3[%add3A, %dma_wait3A_20] : memref<32x10240xf32, #tpu.memory_space<hbm>> -> memref<1x10240xf32, #tpu.memory_space<hbm>>
      %dma_wait3A_22 = tpu.memref_squeeze %dma_wait3A_21 : memref<1x10240xf32, #tpu.memory_space<hbm>> -> memref<10240xf32, #tpu.memory_space<hbm>>
      tpu.wait_dma2 semaphore(%run_scoped3A : memref<!tpu.dma_semaphore, #tpu.memory_space<semaphore_mem>>) src(%arg5 : memref<10240xf32, #tpu.memory_space<vmem>>) dst(%dma_wait3A_22 : memref<10240xf32, #tpu.memory_space<hbm>>)
      tpu.yield
    }) : () -> ()
    return
  }
}

#map = affine_map<(d0, d1) -> (0, 0)>
#map1 = affine_map<(d0, d1) -> (0, 0, 0)>
module attributes {stable_mosaic.version = 14 : i64} {
  func.func @_scatter_body(%arg0: i32, %arg1: i32, %arg2: memref<10240x128xf32, #tpu.memory_space<hbm>>, %arg3: memref<32x128x80xi32, #tpu.memory_space<hbm>>, %arg4: memref<32x128x80xi32, #tpu.memory_space<hbm>>, %arg5: memref<10240x128xf32, #tpu.memory_space<hbm>>, %arg6: memref<2x10240x128xf32, #tpu.memory_space<hbm>>, %arg7: memref<2x8x80xi32, #tpu.memory_space<vmem>>, %arg8: memref<2x8x80xi32, #tpu.memory_space<vmem>>, %arg9: memref<4x80x128xf32, #tpu.memory_space<vmem>>, %arg10: memref<10240x128xf32, #tpu.memory_space<vmem_shared>>, %arg11: memref<3x!tpu.dma_semaphore, #tpu.memory_space<semaphore_mem>>, %arg12: memref<!tpu.dma_semaphore, #tpu.memory_space<semaphore_mem>>, %arg13: memref<!tpu.dma_semaphore, #tpu.memory_space<semaphore_mem>>) attributes {dimension_semantics = [#tpu.dimension_semantics<core_parallel>, #tpu.dimension_semantics<subcore_parallel>], iteration_bounds = array<i64: 2, 16>, scalar_prefetch = 0 : i64, scratch_operands = 7 : i64, tpu.core_type = #tpu.core_type<sc_vector_subcore>, window_params = [{transform_indices = #map}, {transform_indices = #map1}, {transform_indices = #map1}, {transform_indices = #map}, {transform_indices = #map1}]} {
    %mul3A = arith.constant 16 : i32
    %mul3A_0 = arith.muli %arg0, %mul3A : i32
    %add3A = arith.addi %mul3A_0, %arg1 : i32
    %mul3A_1 = arith.constant 640 : i32
    %mul3A_2 = arith.muli %arg1, %mul3A_1 : i32
    %dma_start3A = arith.constant 0 : i32
    %dma_start3A_3 = arith.constant 0 : i32
    %dma_start3A_4 = arith.constant 0 : i32
    %dma_start3A_5 = tpu.memref_slice %arg7[%dma_start3A, %dma_start3A_3, %dma_start3A_4] : memref<2x8x80xi32, #tpu.memory_space<vmem>> -> memref<1x8x80xi32, #tpu.memory_space<vmem>>
    %dma_start3A_6 = tpu.memref_squeeze %dma_start3A_5 : memref<1x8x80xi32, #tpu.memory_space<vmem>> -> memref<8x80xi32, #tpu.memory_space<vmem>>
    %dma_start3A_7 = arith.constant 0 : i32
    %dma_start3A_8 = arith.constant 0 : i32
    %dma_start3A_9 = tpu.memref_slice %arg3[%add3A, %dma_start3A_7, %dma_start3A_8] : memref<32x128x80xi32, #tpu.memory_space<hbm>> -> memref<1x8x80xi32, #tpu.memory_space<hbm>>
    %dma_start3A_10 = tpu.memref_squeeze %dma_start3A_9 : memref<1x8x80xi32, #tpu.memory_space<hbm>> -> memref<8x80xi32, #tpu.memory_space<hbm>>
    %dma_start3A_11 = arith.constant 0 : i32
    %dma_start3A_12 = arith.constant 0 : i32
    %dma_start3A_13 = tpu.memref_slice %arg7[%dma_start3A, %dma_start3A_11, %dma_start3A_12] : memref<2x8x80xi32, #tpu.memory_space<vmem>> -> memref<1x8x80xi32, #tpu.memory_space<vmem>>
    %dma_start3A_14 = tpu.memref_squeeze %dma_start3A_13 : memref<1x8x80xi32, #tpu.memory_space<vmem>> -> memref<8x80xi32, #tpu.memory_space<vmem>>
    %dma_start3A_15 = arith.constant 0 : i32
    %dma_start3A_16 = arith.constant 0 : i32
    %dma_start3A_17 = tpu.memref_slice %arg3[%add3A, %dma_start3A_15, %dma_start3A_16] : memref<32x128x80xi32, #tpu.memory_space<hbm>> -> memref<1x8x80xi32, #tpu.memory_space<hbm>>
    %dma_start3A_18 = tpu.memref_squeeze %dma_start3A_17 : memref<1x8x80xi32, #tpu.memory_space<hbm>> -> memref<8x80xi32, #tpu.memory_space<hbm>>
    tpu.enqueue_dma source(%dma_start3A_18 : memref<8x80xi32, #tpu.memory_space<hbm>>) target(%dma_start3A_14 : memref<8x80xi32, #tpu.memory_space<vmem>>) target_semaphore(%arg13 : memref<!tpu.dma_semaphore, #tpu.memory_space<semaphore_mem>>)
    %dma_start3A_19 = arith.constant 0 : i32
    %dma_start3A_20 = arith.constant 0 : i32
    %dma_start3A_21 = arith.constant 0 : i32
    %dma_start3A_22 = tpu.memref_slice %arg8[%dma_start3A_19, %dma_start3A_20, %dma_start3A_21] : memref<2x8x80xi32, #tpu.memory_space<vmem>> -> memref<1x8x80xi32, #tpu.memory_space<vmem>>
    %dma_start3A_23 = tpu.memref_squeeze %dma_start3A_22 : memref<1x8x80xi32, #tpu.memory_space<vmem>> -> memref<8x80xi32, #tpu.memory_space<vmem>>
    %dma_start3A_24 = arith.constant 0 : i32
    %dma_start3A_25 = arith.constant 0 : i32
    %dma_start3A_26 = tpu.memref_slice %arg4[%add3A, %dma_start3A_24, %dma_start3A_25] : memref<32x128x80xi32, #tpu.memory_space<hbm>> -> memref<1x8x80xi32, #tpu.memory_space<hbm>>
    %dma_start3A_27 = tpu.memref_squeeze %dma_start3A_26 : memref<1x8x80xi32, #tpu.memory_space<hbm>> -> memref<8x80xi32, #tpu.memory_space<hbm>>
    %dma_start3A_28 = arith.constant 0 : i32
    %dma_start3A_29 = arith.constant 0 : i32
    %dma_start3A_30 = tpu.memref_slice %arg8[%dma_start3A_19, %dma_start3A_28, %dma_start3A_29] : memref<2x8x80xi32, #tpu.memory_space<vmem>> -> memref<1x8x80xi32, #tpu.memory_space<vmem>>
    %dma_start3A_31 = tpu.memref_squeeze %dma_start3A_30 : memref<1x8x80xi32, #tpu.memory_space<vmem>> -> memref<8x80xi32, #tpu.memory_space<vmem>>
    %dma_start3A_32 = arith.constant 0 : i32
    %dma_start3A_33 = arith.constant 0 : i32
    %dma_start3A_34 = tpu.memref_slice %arg4[%add3A, %dma_start3A_32, %dma_start3A_33] : memref<32x128x80xi32, #tpu.memory_space<hbm>> -> memref<1x8x80xi32, #tpu.memory_space<hbm>>
    %dma_start3A_35 = tpu.memref_squeeze %dma_start3A_34 : memref<1x8x80xi32, #tpu.memory_space<hbm>> -> memref<8x80xi32, #tpu.memory_space<hbm>>
    tpu.enqueue_dma source(%dma_start3A_35 : memref<8x80xi32, #tpu.memory_space<hbm>>) target(%dma_start3A_31 : memref<8x80xi32, #tpu.memory_space<vmem>>) target_semaphore(%arg13 : memref<!tpu.dma_semaphore, #tpu.memory_space<semaphore_mem>>)
    "tpu.region"() ({
      %run_scoped3A = tpu.sem_alloc : memref<!tpu.dma_semaphore, #tpu.memory_space<semaphore_mem>>
      %dma_start3A_170 = arith.constant 0 : i32
      %dma_start3A_171 = tpu.memref_slice %arg10[%mul3A_2, %dma_start3A_170] : memref<10240x128xf32, #tpu.memory_space<vmem_shared>> -> memref<640x128xf32, #tpu.memory_space<vmem_shared>>
      %dma_start3A_172 = arith.constant 0 : i32
      %dma_start3A_173 = tpu.memref_slice %arg5[%mul3A_2, %dma_start3A_172] : memref<10240x128xf32, #tpu.memory_space<hbm>> -> memref<640x128xf32, #tpu.memory_space<hbm>>
      tpu.enqueue_dma source(%dma_start3A_173 : memref<640x128xf32, #tpu.memory_space<hbm>>) target(%dma_start3A_171 : memref<640x128xf32, #tpu.memory_space<vmem_shared>>) target_semaphore(%run_scoped3A : memref<!tpu.dma_semaphore, #tpu.memory_space<semaphore_mem>>)
      %dma_wait3A_174 = arith.constant 0 : i32
      %dma_wait3A_175 = tpu.memref_slice %arg10[%mul3A_2, %dma_wait3A_174] : memref<10240x128xf32, #tpu.memory_space<vmem_shared>> -> memref<640x128xf32, #tpu.memory_space<vmem_shared>>
      %dma_wait3A_176 = arith.constant 0 : i32
      %dma_wait3A_177 = tpu.memref_slice %arg5[%mul3A_2, %dma_wait3A_176] : memref<10240x128xf32, #tpu.memory_space<hbm>> -> memref<640x128xf32, #tpu.memory_space<hbm>>
      tpu.wait_dma2 semaphore(%run_scoped3A : memref<!tpu.dma_semaphore, #tpu.memory_space<semaphore_mem>>) src(%dma_wait3A_177 : memref<640x128xf32, #tpu.memory_space<hbm>>) dst(%dma_wait3A_175 : memref<640x128xf32, #tpu.memory_space<vmem_shared>>)
      tpu.yield
    }) : () -> ()
    %dma_wait3A = arith.constant 0 : i32
    %dma_wait3A_36 = arith.constant 0 : i32
    %dma_wait3A_37 = arith.constant 0 : i32
    %dma_wait3A_38 = tpu.memref_slice %arg7[%dma_wait3A, %dma_wait3A_36, %dma_wait3A_37] : memref<2x8x80xi32, #tpu.memory_space<vmem>> -> memref<1x8x80xi32, #tpu.memory_space<vmem>>
    %dma_wait3A_39 = tpu.memref_squeeze %dma_wait3A_38 : memref<1x8x80xi32, #tpu.memory_space<vmem>> -> memref<8x80xi32, #tpu.memory_space<vmem>>
    %dma_wait3A_40 = arith.constant 0 : i32
    %dma_wait3A_41 = arith.constant 0 : i32
    %dma_wait3A_42 = tpu.memref_slice %arg3[%add3A, %dma_wait3A_40, %dma_wait3A_41] : memref<32x128x80xi32, #tpu.memory_space<hbm>> -> memref<1x8x80xi32, #tpu.memory_space<hbm>>
    %dma_wait3A_43 = tpu.memref_squeeze %dma_wait3A_42 : memref<1x8x80xi32, #tpu.memory_space<hbm>> -> memref<8x80xi32, #tpu.memory_space<hbm>>
    %dma_wait3A_44 = arith.constant 0 : i32
    %dma_wait3A_45 = arith.constant 0 : i32
    %dma_wait3A_46 = tpu.memref_slice %arg7[%dma_wait3A, %dma_wait3A_44, %dma_wait3A_45] : memref<2x8x80xi32, #tpu.memory_space<vmem>> -> memref<1x8x80xi32, #tpu.memory_space<vmem>>
    %dma_wait3A_47 = tpu.memref_squeeze %dma_wait3A_46 : memref<1x8x80xi32, #tpu.memory_space<vmem>> -> memref<8x80xi32, #tpu.memory_space<vmem>>
    %dma_wait3A_48 = arith.constant 0 : i32
    %dma_wait3A_49 = arith.constant 0 : i32
    %dma_wait3A_50 = tpu.memref_slice %arg3[%add3A, %dma_wait3A_48, %dma_wait3A_49] : memref<32x128x80xi32, #tpu.memory_space<hbm>> -> memref<1x8x80xi32, #tpu.memory_space<hbm>>
    %dma_wait3A_51 = tpu.memref_squeeze %dma_wait3A_50 : memref<1x8x80xi32, #tpu.memory_space<hbm>> -> memref<8x80xi32, #tpu.memory_space<hbm>>
    tpu.wait_dma2 semaphore(%arg13 : memref<!tpu.dma_semaphore, #tpu.memory_space<semaphore_mem>>) src(%dma_wait3A_51 : memref<8x80xi32, #tpu.memory_space<hbm>>) dst(%dma_wait3A_47 : memref<8x80xi32, #tpu.memory_space<vmem>>)
    %dma_wait3A_52 = arith.constant 0 : i32
    %dma_wait3A_53 = arith.constant 0 : i32
    %dma_wait3A_54 = arith.constant 0 : i32
    %dma_wait3A_55 = tpu.memref_slice %arg8[%dma_wait3A_52, %dma_wait3A_53, %dma_wait3A_54] : memref<2x8x80xi32, #tpu.memory_space<vmem>> -> memref<1x8x80xi32, #tpu.memory_space<vmem>>
    %dma_wait3A_56 = tpu.memref_squeeze %dma_wait3A_55 : memref<1x8x80xi32, #tpu.memory_space<vmem>> -> memref<8x80xi32, #tpu.memory_space<vmem>>
    %dma_wait3A_57 = arith.constant 0 : i32
    %dma_wait3A_58 = arith.constant 0 : i32
    %dma_wait3A_59 = tpu.memref_slice %arg4[%add3A, %dma_wait3A_57, %dma_wait3A_58] : memref<32x128x80xi32, #tpu.memory_space<hbm>> -> memref<1x8x80xi32, #tpu.memory_space<hbm>>
    %dma_wait3A_60 = tpu.memref_squeeze %dma_wait3A_59 : memref<1x8x80xi32, #tpu.memory_space<hbm>> -> memref<8x80xi32, #tpu.memory_space<hbm>>
    %dma_wait3A_61 = arith.constant 0 : i32
    %dma_wait3A_62 = arith.constant 0 : i32
    %dma_wait3A_63 = tpu.memref_slice %arg8[%dma_wait3A_52, %dma_wait3A_61, %dma_wait3A_62] : memref<2x8x80xi32, #tpu.memory_space<vmem>> -> memref<1x8x80xi32, #tpu.memory_space<vmem>>
    %dma_wait3A_64 = tpu.memref_squeeze %dma_wait3A_63 : memref<1x8x80xi32, #tpu.memory_space<vmem>> -> memref<8x80xi32, #tpu.memory_space<vmem>>
    %dma_wait3A_65 = arith.constant 0 : i32
    %dma_wait3A_66 = arith.constant 0 : i32
    %dma_wait3A_67 = tpu.memref_slice %arg4[%add3A, %dma_wait3A_65, %dma_wait3A_66] : memref<32x128x80xi32, #tpu.memory_space<hbm>> -> memref<1x8x80xi32, #tpu.memory_space<hbm>>
    %dma_wait3A_68 = tpu.memref_squeeze %dma_wait3A_67 : memref<1x8x80xi32, #tpu.memory_space<hbm>> -> memref<8x80xi32, #tpu.memory_space<hbm>>
    tpu.wait_dma2 semaphore(%arg13 : memref<!tpu.dma_semaphore, #tpu.memory_space<semaphore_mem>>) src(%dma_wait3A_68 : memref<8x80xi32, #tpu.memory_space<hbm>>) dst(%dma_wait3A_64 : memref<8x80xi32, #tpu.memory_space<vmem>>)
    %dma_start3A_69 = arith.constant 1 : i32
    %dma_start3A_70 = arith.constant 0 : i32
    %dma_start3A_71 = arith.constant 0 : i32
    %dma_start3A_72 = tpu.memref_slice %arg7[%dma_start3A_69, %dma_start3A_70, %dma_start3A_71] : memref<2x8x80xi32, #tpu.memory_space<vmem>> -> memref<1x8x80xi32, #tpu.memory_space<vmem>>
    %dma_start3A_73 = tpu.memref_squeeze %dma_start3A_72 : memref<1x8x80xi32, #tpu.memory_space<vmem>> -> memref<8x80xi32, #tpu.memory_space<vmem>>
    %dma_start3A_74 = arith.constant 8 : i32
    %dma_start3A_75 = arith.constant 0 : i32
    %dma_start3A_76 = tpu.memref_slice %arg3[%add3A, %dma_start3A_74, %dma_start3A_75] : memref<32x128x80xi32, #tpu.memory_space<hbm>> -> memref<1x8x80xi32, #tpu.memory_space<hbm>>
    %dma_start3A_77 = tpu.memref_squeeze %dma_start3A_76 : memref<1x8x80xi32, #tpu.memory_space<hbm>> -> memref<8x80xi32, #tpu.memory_space<hbm>>
    %dma_start3A_78 = arith.constant 0 : i32
    %dma_start3A_79 = arith.constant 0 : i32
    %dma_start3A_80 = tpu.memref_slice %arg7[%dma_start3A_69, %dma_start3A_78, %dma_start3A_79] : memref<2x8x80xi32, #tpu.memory_space<vmem>> -> memref<1x8x80xi32, #tpu.memory_space<vmem>>
    %dma_start3A_81 = tpu.memref_squeeze %dma_start3A_80 : memref<1x8x80xi32, #tpu.memory_space<vmem>> -> memref<8x80xi32, #tpu.memory_space<vmem>>
    %dma_start3A_82 = arith.constant 8 : i32
    %dma_start3A_83 = arith.constant 0 : i32
    %dma_start3A_84 = tpu.memref_slice %arg3[%add3A, %dma_start3A_82, %dma_start3A_83] : memref<32x128x80xi32, #tpu.memory_space<hbm>> -> memref<1x8x80xi32, #tpu.memory_space<hbm>>
    %dma_start3A_85 = tpu.memref_squeeze %dma_start3A_84 : memref<1x8x80xi32, #tpu.memory_space<hbm>> -> memref<8x80xi32, #tpu.memory_space<hbm>>
    tpu.enqueue_dma source(%dma_start3A_85 : memref<8x80xi32, #tpu.memory_space<hbm>>) target(%dma_start3A_81 : memref<8x80xi32, #tpu.memory_space<vmem>>) target_semaphore(%arg13 : memref<!tpu.dma_semaphore, #tpu.memory_space<semaphore_mem>>)
    %dma_start3A_86 = arith.constant 1 : i32
    %dma_start3A_87 = arith.constant 0 : i32
    %dma_start3A_88 = arith.constant 0 : i32
    %dma_start3A_89 = tpu.memref_slice %arg8[%dma_start3A_86, %dma_start3A_87, %dma_start3A_88] : memref<2x8x80xi32, #tpu.memory_space<vmem>> -> memref<1x8x80xi32, #tpu.memory_space<vmem>>
    %dma_start3A_90 = tpu.memref_squeeze %dma_start3A_89 : memref<1x8x80xi32, #tpu.memory_space<vmem>> -> memref<8x80xi32, #tpu.memory_space<vmem>>
    %dma_start3A_91 = arith.constant 8 : i32
    %dma_start3A_92 = arith.constant 0 : i32
    %dma_start3A_93 = tpu.memref_slice %arg4[%add3A, %dma_start3A_91, %dma_start3A_92] : memref<32x128x80xi32, #tpu.memory_space<hbm>> -> memref<1x8x80xi32, #tpu.memory_space<hbm>>
    %dma_start3A_94 = tpu.memref_squeeze %dma_start3A_93 : memref<1x8x80xi32, #tpu.memory_space<hbm>> -> memref<8x80xi32, #tpu.memory_space<hbm>>
    %dma_start3A_95 = arith.constant 0 : i32
    %dma_start3A_96 = arith.constant 0 : i32
    %dma_start3A_97 = tpu.memref_slice %arg8[%dma_start3A_86, %dma_start3A_95, %dma_start3A_96] : memref<2x8x80xi32, #tpu.memory_space<vmem>> -> memref<1x8x80xi32, #tpu.memory_space<vmem>>
    %dma_start3A_98 = tpu.memref_squeeze %dma_start3A_97 : memref<1x8x80xi32, #tpu.memory_space<vmem>> -> memref<8x80xi32, #tpu.memory_space<vmem>>
    %dma_start3A_99 = arith.constant 8 : i32
    %dma_start3A_100 = arith.constant 0 : i32
    %dma_start3A_101 = tpu.memref_slice %arg4[%add3A, %dma_start3A_99, %dma_start3A_100] : memref<32x128x80xi32, #tpu.memory_space<hbm>> -> memref<1x8x80xi32, #tpu.memory_space<hbm>>
    %dma_start3A_102 = tpu.memref_squeeze %dma_start3A_101 : memref<1x8x80xi32, #tpu.memory_space<hbm>> -> memref<8x80xi32, #tpu.memory_space<hbm>>
    tpu.enqueue_dma source(%dma_start3A_102 : memref<8x80xi32, #tpu.memory_space<hbm>>) target(%dma_start3A_98 : memref<8x80xi32, #tpu.memory_space<vmem>>) target_semaphore(%arg13 : memref<!tpu.dma_semaphore, #tpu.memory_space<semaphore_mem>>)
    %dma_start3A_103 = arith.constant 0 : i32
    %dma_start3A_104 = arith.constant 0 : i32
    %dma_start3A_105 = arith.constant 0 : i32
    %dma_start3A_106 = arith.constant 0 : i32
    %dma_start3A_107 = arith.constant 0 : i32
    %dma_start3A_108 = arith.constant 0 : i32
    %dma_start3A_109 = tpu.memref_slice %arg9[%dma_start3A_105, %dma_start3A_107, %dma_start3A_108] : memref<4x80x128xf32, #tpu.memory_space<vmem>> -> memref<1x80x128xf32, #tpu.memory_space<vmem>>
    %dma_start3A_110 = tpu.memref_squeeze %dma_start3A_109 : memref<1x80x128xf32, #tpu.memory_space<vmem>> -> memref<80x128xf32, #tpu.memory_space<vmem>>
    %dma_start3A_111 = arith.constant 0 : i32
    %dma_start3A_112 = tpu.memref_slice %arg7[%dma_start3A_103, %dma_start3A_104, %dma_start3A_111] : memref<2x8x80xi32, #tpu.memory_space<vmem>> -> memref<1x1x80xi32, #tpu.memory_space<vmem>>
    %dma_start3A_113 = tpu.memref_squeeze %dma_start3A_112 : memref<1x1x80xi32, #tpu.memory_space<vmem>> -> memref<80xi32, #tpu.memory_space<vmem>>
    %dma_start3A_114 = arith.constant 0 : i32
    %dma_start3A_115 = arith.constant 0 : i32
    %dma_start3A_116 = tpu.memref_slice %arg2[%dma_start3A_114, %dma_start3A_115] : memref<10240x128xf32, #tpu.memory_space<hbm>> -> memref<10240x128xf32, #tpu.memory_space<hbm>>
    %dma_start3A_117 = tpu.memref_slice %arg11[%dma_start3A_106] : memref<3x!tpu.dma_semaphore, #tpu.memory_space<semaphore_mem>> -> memref<1x!tpu.dma_semaphore, #tpu.memory_space<semaphore_mem>>
    %dma_start3A_118 = tpu.memref_squeeze %dma_start3A_117 : memref<1x!tpu.dma_semaphore, #tpu.memory_space<semaphore_mem>> -> memref<!tpu.dma_semaphore, #tpu.memory_space<semaphore_mem>>
    tpu.enqueue_indirect_dma source(%dma_start3A_116 : memref<10240x128xf32, #tpu.memory_space<hbm>>) target(%dma_start3A_110 : memref<80x128xf32, #tpu.memory_space<vmem>>) offsets(%dma_start3A_113 : memref<80xi32, #tpu.memory_space<vmem>>) semaphore(%dma_start3A_118 : memref<!tpu.dma_semaphore, #tpu.memory_space<semaphore_mem>>)
    %dma_start3A_119 = arith.constant 0 : i32
    %dma_start3A_120 = arith.constant 1 : i32
    %dma_start3A_121 = arith.constant 1 : i32
    %dma_start3A_122 = arith.constant 1 : i32
    %dma_start3A_123 = arith.constant 0 : i32
    %dma_start3A_124 = arith.constant 0 : i32
    %dma_start3A_125 = tpu.memref_slice %arg9[%dma_start3A_121, %dma_start3A_123, %dma_start3A_124] : memref<4x80x128xf32, #tpu.memory_space<vmem>> -> memref<1x80x128xf32, #tpu.memory_space<vmem>>
    %dma_start3A_126 = tpu.memref_squeeze %dma_start3A_125 : memref<1x80x128xf32, #tpu.memory_space<vmem>> -> memref<80x128xf32, #tpu.memory_space<vmem>>
    %dma_start3A_127 = arith.constant 0 : i32
    %dma_start3A_128 = tpu.memref_slice %arg7[%dma_start3A_119, %dma_start3A_120, %dma_start3A_127] : memref<2x8x80xi32, #tpu.memory_space<vmem>> -> memref<1x1x80xi32, #tpu.memory_space<vmem>>
    %dma_start3A_129 = tpu.memref_squeeze %dma_start3A_128 : memref<1x1x80xi32, #tpu.memory_space<vmem>> -> memref<80xi32, #tpu.memory_space<vmem>>
    %dma_start3A_130 = arith.constant 0 : i32
    %dma_start3A_131 = arith.constant 0 : i32
    %dma_start3A_132 = tpu.memref_slice %arg2[%dma_start3A_130, %dma_start3A_131] : memref<10240x128xf32, #tpu.memory_space<hbm>> -> memref<10240x128xf32, #tpu.memory_space<hbm>>
    %dma_start3A_133 = tpu.memref_slice %arg11[%dma_start3A_122] : memref<3x!tpu.dma_semaphore, #tpu.memory_space<semaphore_mem>> -> memref<1x!tpu.dma_semaphore, #tpu.memory_space<semaphore_mem>>
    %dma_start3A_134 = tpu.memref_squeeze %dma_start3A_133 : memref<1x!tpu.dma_semaphore, #tpu.memory_space<semaphore_mem>> -> memref<!tpu.dma_semaphore, #tpu.memory_space<semaphore_mem>>
    tpu.enqueue_indirect_dma source(%dma_start3A_132 : memref<10240x128xf32, #tpu.memory_space<hbm>>) target(%dma_start3A_126 : memref<80x128xf32, #tpu.memory_space<vmem>>) offsets(%dma_start3A_129 : memref<80xi32, #tpu.memory_space<vmem>>) semaphore(%dma_start3A_134 : memref<!tpu.dma_semaphore, #tpu.memory_space<semaphore_mem>>)
    %dma_start3A_135 = arith.constant 0 : i32
    %dma_start3A_136 = arith.constant 2 : i32
    %dma_start3A_137 = arith.constant 2 : i32
    %dma_start3A_138 = arith.constant 2 : i32
    %dma_start3A_139 = arith.constant 0 : i32
    %dma_start3A_140 = arith.constant 0 : i32
    %dma_start3A_141 = tpu.memref_slice %arg9[%dma_start3A_137, %dma_start3A_139, %dma_start3A_140] : memref<4x80x128xf32, #tpu.memory_space<vmem>> -> memref<1x80x128xf32, #tpu.memory_space<vmem>>
    %dma_start3A_142 = tpu.memref_squeeze %dma_start3A_141 : memref<1x80x128xf32, #tpu.memory_space<vmem>> -> memref<80x128xf32, #tpu.memory_space<vmem>>
    %dma_start3A_143 = arith.constant 0 : i32
    %dma_start3A_144 = tpu.memref_slice %arg7[%dma_start3A_135, %dma_start3A_136, %dma_start3A_143] : memref<2x8x80xi32, #tpu.memory_space<vmem>> -> memref<1x1x80xi32, #tpu.memory_space<vmem>>
    %dma_start3A_145 = tpu.memref_squeeze %dma_start3A_144 : memref<1x1x80xi32, #tpu.memory_space<vmem>> -> memref<80xi32, #tpu.memory_space<vmem>>
    %dma_start3A_146 = arith.constant 0 : i32
    %dma_start3A_147 = arith.constant 0 : i32
    %dma_start3A_148 = tpu.memref_slice %arg2[%dma_start3A_146, %dma_start3A_147] : memref<10240x128xf32, #tpu.memory_space<hbm>> -> memref<10240x128xf32, #tpu.memory_space<hbm>>
    %dma_start3A_149 = tpu.memref_slice %arg11[%dma_start3A_138] : memref<3x!tpu.dma_semaphore, #tpu.memory_space<semaphore_mem>> -> memref<1x!tpu.dma_semaphore, #tpu.memory_space<semaphore_mem>>
    %dma_start3A_150 = tpu.memref_squeeze %dma_start3A_149 : memref<1x!tpu.dma_semaphore, #tpu.memory_space<semaphore_mem>> -> memref<!tpu.dma_semaphore, #tpu.memory_space<semaphore_mem>>
    tpu.enqueue_indirect_dma source(%dma_start3A_148 : memref<10240x128xf32, #tpu.memory_space<hbm>>) target(%dma_start3A_142 : memref<80x128xf32, #tpu.memory_space<vmem>>) offsets(%dma_start3A_145 : memref<80xi32, #tpu.memory_space<vmem>>) semaphore(%dma_start3A_150 : memref<!tpu.dma_semaphore, #tpu.memory_space<semaphore_mem>>)
    %barrier3A = arith.constant 0 : index
    tpu.barrier barrier_id(%barrier3A)
    %scan3A = arith.constant 0 : i32
    %scan3A_151 = arith.constant 0 : i32
    %scan3A_152 = arith.constant 128 : i32
    %scan3A_153 = arith.addi %scan3A_151, %scan3A_152 : i32
    %scan3A_154 = arith.constant 1 : i32
    scf.for %scan3A_170 = %scan3A_151 to %scan3A_153 step %scan3A_154  : i32 {
      %div3A = arith.constant 8 : i32
      %div3A_171 = arith.divsi %scan3A_170, %div3A : i32
      %rem3A = arith.constant 8 : i32
      %rem3A_172 = arith.remsi %scan3A_170, %rem3A : i32
      %rem3A_173 = arith.constant 2 : i32
      %rem3A_174 = arith.remsi %div3A_171, %rem3A_173 : i32
      %rem3A_175 = arith.constant 4 : i32
      %rem3A_176 = arith.remsi %scan3A_170, %rem3A_175 : i32
      %rem3A_177 = arith.constant 3 : i32
      %rem3A_178 = arith.remsi %scan3A_170, %rem3A_177 : i32
      %eq3A = arith.constant 0 : i32
      %eq3A_179 = arith.cmpi eq, %rem3A_172, %eq3A : i32
      %gt3A = arith.constant 0 : i32
      %gt3A_180 = arith.cmpi sgt, %scan3A_170, %gt3A : i32
      %and3A = arith.andi %eq3A_179, %gt3A_180 : i1
      %add3A_181 = arith.constant 1 : i32
      %add3A_182 = arith.addi %div3A_171, %add3A_181 : i32
      %lt3A = arith.constant 16 : i32
      %lt3A_183 = arith.cmpi slt, %add3A_182, %lt3A : i32
      %and3A_184 = arith.andi %and3A, %lt3A_183 : i1
      %convert_element_type3A = arith.extui %and3A_184 : i1 to i32
      %cond3A = arith.constant 0 : i32
      %cond3A_185 = arith.cmpi ne, %convert_element_type3A, %cond3A : i32
      scf.if %cond3A_185 {
        %add3A_220 = arith.constant 1 : i32
        %add3A_221 = arith.addi %div3A_171, %add3A_220 : i32
        %add3A_222 = arith.constant 1 : i32
        %add3A_223 = arith.addi %div3A_171, %add3A_222 : i32
        %rem3A_224 = arith.constant 2 : i32
        %rem3A_225 = arith.remsi %add3A_223, %rem3A_224 : i32
        %mul3A_226 = arith.constant 8 : i32
        %mul3A_227 = arith.muli %add3A_221, %mul3A_226 : i32
        %mul3A_228 = arith.constant 8 : i32
        %mul3A_229 = arith.muli %add3A_221, %mul3A_228 : i32
        %dma_start3A_230 = arith.constant 0 : i32
        %dma_start3A_231 = arith.constant 0 : i32
        %dma_start3A_232 = tpu.memref_slice %arg7[%rem3A_225, %dma_start3A_230, %dma_start3A_231] : memref<2x8x80xi32, #tpu.memory_space<vmem>> -> memref<1x8x80xi32, #tpu.memory_space<vmem>>
        %dma_start3A_233 = tpu.memref_squeeze %dma_start3A_232 : memref<1x8x80xi32, #tpu.memory_space<vmem>> -> memref<8x80xi32, #tpu.memory_space<vmem>>
        %dma_start3A_234 = arith.constant 0 : i32
        %dma_start3A_235 = tpu.memref_slice %arg3[%add3A, %mul3A_227, %dma_start3A_234] : memref<32x128x80xi32, #tpu.memory_space<hbm>> -> memref<1x8x80xi32, #tpu.memory_space<hbm>>
        %dma_start3A_236 = tpu.memref_squeeze %dma_start3A_235 : memref<1x8x80xi32, #tpu.memory_space<hbm>> -> memref<8x80xi32, #tpu.memory_space<hbm>>
        %dma_start3A_237 = arith.constant 0 : i32
        %dma_start3A_238 = arith.constant 0 : i32
        %dma_start3A_239 = tpu.memref_slice %arg7[%rem3A_225, %dma_start3A_237, %dma_start3A_238] : memref<2x8x80xi32, #tpu.memory_space<vmem>> -> memref<1x8x80xi32, #tpu.memory_space<vmem>>
        %dma_start3A_240 = tpu.memref_squeeze %dma_start3A_239 : memref<1x8x80xi32, #tpu.memory_space<vmem>> -> memref<8x80xi32, #tpu.memory_space<vmem>>
        %dma_start3A_241 = arith.constant 0 : i32
        %dma_start3A_242 = tpu.memref_slice %arg3[%add3A, %mul3A_227, %dma_start3A_241] : memref<32x128x80xi32, #tpu.memory_space<hbm>> -> memref<1x8x80xi32, #tpu.memory_space<hbm>>
        %dma_start3A_243 = tpu.memref_squeeze %dma_start3A_242 : memref<1x8x80xi32, #tpu.memory_space<hbm>> -> memref<8x80xi32, #tpu.memory_space<hbm>>
        tpu.enqueue_dma source(%dma_start3A_243 : memref<8x80xi32, #tpu.memory_space<hbm>>) target(%dma_start3A_240 : memref<8x80xi32, #tpu.memory_space<vmem>>) target_semaphore(%arg13 : memref<!tpu.dma_semaphore, #tpu.memory_space<semaphore_mem>>)
        %dma_start3A_244 = arith.constant 0 : i32
        %dma_start3A_245 = arith.constant 0 : i32
        %dma_start3A_246 = tpu.memref_slice %arg8[%rem3A_225, %dma_start3A_244, %dma_start3A_245] : memref<2x8x80xi32, #tpu.memory_space<vmem>> -> memref<1x8x80xi32, #tpu.memory_space<vmem>>
        %dma_start3A_247 = tpu.memref_squeeze %dma_start3A_246 : memref<1x8x80xi32, #tpu.memory_space<vmem>> -> memref<8x80xi32, #tpu.memory_space<vmem>>
        %dma_start3A_248 = arith.constant 0 : i32
        %dma_start3A_249 = tpu.memref_slice %arg4[%add3A, %mul3A_229, %dma_start3A_248] : memref<32x128x80xi32, #tpu.memory_space<hbm>> -> memref<1x8x80xi32, #tpu.memory_space<hbm>>
        %dma_start3A_250 = tpu.memref_squeeze %dma_start3A_249 : memref<1x8x80xi32, #tpu.memory_space<hbm>> -> memref<8x80xi32, #tpu.memory_space<hbm>>
        %dma_start3A_251 = arith.constant 0 : i32
        %dma_start3A_252 = arith.constant 0 : i32
        %dma_start3A_253 = tpu.memref_slice %arg8[%rem3A_225, %dma_start3A_251, %dma_start3A_252] : memref<2x8x80xi32, #tpu.memory_space<vmem>> -> memref<1x8x80xi32, #tpu.memory_space<vmem>>
        %dma_start3A_254 = tpu.memref_squeeze %dma_start3A_253 : memref<1x8x80xi32, #tpu.memory_space<vmem>> -> memref<8x80xi32, #tpu.memory_space<vmem>>
        %dma_start3A_255 = arith.constant 0 : i32
        %dma_start3A_256 = tpu.memref_slice %arg4[%add3A, %mul3A_229, %dma_start3A_255] : memref<32x128x80xi32, #tpu.memory_space<hbm>> -> memref<1x8x80xi32, #tpu.memory_space<hbm>>
        %dma_start3A_257 = tpu.memref_squeeze %dma_start3A_256 : memref<1x8x80xi32, #tpu.memory_space<hbm>> -> memref<8x80xi32, #tpu.memory_space<hbm>>
        tpu.enqueue_dma source(%dma_start3A_257 : memref<8x80xi32, #tpu.memory_space<hbm>>) target(%dma_start3A_254 : memref<8x80xi32, #tpu.memory_space<vmem>>) target_semaphore(%arg13 : memref<!tpu.dma_semaphore, #tpu.memory_space<semaphore_mem>>)
      } else {
      }
      %gt3A_186 = arith.constant 0 : i32
      %gt3A_187 = arith.cmpi sgt, %scan3A_170, %gt3A_186 : i32
      %convert_element_type3A_188 = arith.extui %gt3A_187 : i1 to i32
      %cond3A_189 = arith.constant 0 : i32
      %cond3A_190 = arith.cmpi ne, %convert_element_type3A_188, %cond3A_189 : i32
      scf.if %cond3A_190 {
        %sub3A = arith.constant 1 : i32
        %sub3A_220 = arith.subi %scan3A_170, %sub3A : i32
        %div3A_221 = arith.constant 8 : i32
        %div3A_222 = arith.divsi %sub3A_220, %div3A_221 : i32
        %rem3A_223 = arith.constant 2 : i32
        %rem3A_224 = arith.remsi %div3A_222, %rem3A_223 : i32
        %rem3A_225 = arith.constant 8 : i32
        %rem3A_226 = arith.remsi %sub3A_220, %rem3A_225 : i32
        %rem3A_227 = arith.constant 4 : i32
        %rem3A_228 = arith.remsi %sub3A_220, %rem3A_227 : i32
        %dma_wait3A_229 = arith.constant 0 : i32
        %dma_wait3A_230 = arith.constant 0 : i32
        %dma_wait3A_231 = tpu.memref_slice %arg9[%rem3A_228, %dma_wait3A_229, %dma_wait3A_230] : memref<4x80x128xf32, #tpu.memory_space<vmem>> -> memref<1x80x128xf32, #tpu.memory_space<vmem>>
        %dma_wait3A_232 = tpu.memref_squeeze %dma_wait3A_231 : memref<1x80x128xf32, #tpu.memory_space<vmem>> -> memref<80x128xf32, #tpu.memory_space<vmem>>
        %dma_wait3A_233 = arith.constant 0 : i32
        %dma_wait3A_234 = tpu.memref_slice %arg8[%rem3A_224, %rem3A_226, %dma_wait3A_233] : memref<2x8x80xi32, #tpu.memory_space<vmem>> -> memref<1x1x80xi32, #tpu.memory_space<vmem>>
        %dma_wait3A_235 = tpu.memref_squeeze %dma_wait3A_234 : memref<1x1x80xi32, #tpu.memory_space<vmem>> -> memref<80xi32, #tpu.memory_space<vmem>>
        %dma_wait3A_236 = arith.constant 0 : i32
        %dma_wait3A_237 = arith.constant 0 : i32
        %dma_wait3A_238 = tpu.memref_slice %arg10[%dma_wait3A_236, %dma_wait3A_237] : memref<10240x128xf32, #tpu.memory_space<vmem_shared>> -> memref<10240x128xf32, #tpu.memory_space<vmem_shared>>
        tpu.wait_indirect_dma semaphore(%arg12 : memref<!tpu.dma_semaphore, #tpu.memory_space<semaphore_mem>>) src(%dma_wait3A_232 : memref<80x128xf32, #tpu.memory_space<vmem>>) dst(%dma_wait3A_238 : memref<10240x128xf32, #tpu.memory_space<vmem_shared>>)
      } else {
      }
      %dma_wait3A_191 = arith.constant 0 : i32
      %dma_wait3A_192 = arith.constant 0 : i32
      %dma_wait3A_193 = tpu.memref_slice %arg9[%rem3A_176, %dma_wait3A_191, %dma_wait3A_192] : memref<4x80x128xf32, #tpu.memory_space<vmem>> -> memref<1x80x128xf32, #tpu.memory_space<vmem>>
      %dma_wait3A_194 = tpu.memref_squeeze %dma_wait3A_193 : memref<1x80x128xf32, #tpu.memory_space<vmem>> -> memref<80x128xf32, #tpu.memory_space<vmem>>
      %dma_wait3A_195 = arith.constant 0 : i32
      %dma_wait3A_196 = tpu.memref_slice %arg7[%rem3A_174, %rem3A_172, %dma_wait3A_195] : memref<2x8x80xi32, #tpu.memory_space<vmem>> -> memref<1x1x80xi32, #tpu.memory_space<vmem>>
      %dma_wait3A_197 = tpu.memref_squeeze %dma_wait3A_196 : memref<1x1x80xi32, #tpu.memory_space<vmem>> -> memref<80xi32, #tpu.memory_space<vmem>>
      %dma_wait3A_198 = arith.constant 0 : i32
      %dma_wait3A_199 = arith.constant 0 : i32
      %dma_wait3A_200 = tpu.memref_slice %arg2[%dma_wait3A_198, %dma_wait3A_199] : memref<10240x128xf32, #tpu.memory_space<hbm>> -> memref<10240x128xf32, #tpu.memory_space<hbm>>
      %dma_wait3A_201 = tpu.memref_slice %arg11[%rem3A_178] : memref<3x!tpu.dma_semaphore, #tpu.memory_space<semaphore_mem>> -> memref<1x!tpu.dma_semaphore, #tpu.memory_space<semaphore_mem>>
      %dma_wait3A_202 = tpu.memref_squeeze %dma_wait3A_201 : memref<1x!tpu.dma_semaphore, #tpu.memory_space<semaphore_mem>> -> memref<!tpu.dma_semaphore, #tpu.memory_space<semaphore_mem>>
      tpu.wait_indirect_dma semaphore(%dma_wait3A_202 : memref<!tpu.dma_semaphore, #tpu.memory_space<semaphore_mem>>) src(%dma_wait3A_200 : memref<10240x128xf32, #tpu.memory_space<hbm>>) dst(%dma_wait3A_194 : memref<80x128xf32, #tpu.memory_space<vmem>>)
      %add3A_203 = arith.constant 3 : i32
      %add3A_204 = arith.addi %scan3A_170, %add3A_203 : i32
      %lt3A_205 = arith.constant 128 : i32
      %lt3A_206 = arith.cmpi slt, %add3A_204, %lt3A_205 : i32
      %convert_element_type3A_207 = arith.extui %lt3A_206 : i1 to i32
      %cond3A_208 = arith.constant 0 : i32
      %cond3A_209 = arith.cmpi ne, %convert_element_type3A_207, %cond3A_208 : i32
      scf.if %cond3A_209 {
        %add3A_220 = arith.constant 3 : i32
        %add3A_221 = arith.addi %scan3A_170, %add3A_220 : i32
        %div3A_222 = arith.constant 8 : i32
        %div3A_223 = arith.divsi %add3A_221, %div3A_222 : i32
        %rem3A_224 = arith.constant 8 : i32
        %rem3A_225 = arith.remsi %add3A_221, %rem3A_224 : i32
        %eq3A_226 = arith.constant 0 : i32
        %eq3A_227 = arith.cmpi eq, %rem3A_225, %eq3A_226 : i32
        %convert_element_type3A_228 = arith.extui %eq3A_227 : i1 to i32
        %cond3A_229 = arith.constant 0 : i32
        %cond3A_230 = arith.cmpi ne, %convert_element_type3A_228, %cond3A_229 : i32
        scf.if %cond3A_230 {
          %rem3A_249 = arith.constant 2 : i32
          %rem3A_250 = arith.remsi %div3A_223, %rem3A_249 : i32
          %mul3A_251 = arith.constant 8 : i32
          %mul3A_252 = arith.muli %div3A_223, %mul3A_251 : i32
          %mul3A_253 = arith.constant 8 : i32
          %mul3A_254 = arith.muli %div3A_223, %mul3A_253 : i32
          %dma_wait3A_255 = arith.constant 0 : i32
          %dma_wait3A_256 = arith.constant 0 : i32
          %dma_wait3A_257 = tpu.memref_slice %arg7[%rem3A_250, %dma_wait3A_255, %dma_wait3A_256] : memref<2x8x80xi32, #tpu.memory_space<vmem>> -> memref<1x8x80xi32, #tpu.memory_space<vmem>>
          %dma_wait3A_258 = tpu.memref_squeeze %dma_wait3A_257 : memref<1x8x80xi32, #tpu.memory_space<vmem>> -> memref<8x80xi32, #tpu.memory_space<vmem>>
          %dma_wait3A_259 = arith.constant 0 : i32
          %dma_wait3A_260 = tpu.memref_slice %arg3[%add3A, %mul3A_252, %dma_wait3A_259] : memref<32x128x80xi32, #tpu.memory_space<hbm>> -> memref<1x8x80xi32, #tpu.memory_space<hbm>>
          %dma_wait3A_261 = tpu.memref_squeeze %dma_wait3A_260 : memref<1x8x80xi32, #tpu.memory_space<hbm>> -> memref<8x80xi32, #tpu.memory_space<hbm>>
          %dma_wait3A_262 = arith.constant 0 : i32
          %dma_wait3A_263 = arith.constant 0 : i32
          %dma_wait3A_264 = tpu.memref_slice %arg7[%rem3A_250, %dma_wait3A_262, %dma_wait3A_263] : memref<2x8x80xi32, #tpu.memory_space<vmem>> -> memref<1x8x80xi32, #tpu.memory_space<vmem>>
          %dma_wait3A_265 = tpu.memref_squeeze %dma_wait3A_264 : memref<1x8x80xi32, #tpu.memory_space<vmem>> -> memref<8x80xi32, #tpu.memory_space<vmem>>
          %dma_wait3A_266 = arith.constant 0 : i32
          %dma_wait3A_267 = tpu.memref_slice %arg3[%add3A, %mul3A_252, %dma_wait3A_266] : memref<32x128x80xi32, #tpu.memory_space<hbm>> -> memref<1x8x80xi32, #tpu.memory_space<hbm>>
          %dma_wait3A_268 = tpu.memref_squeeze %dma_wait3A_267 : memref<1x8x80xi32, #tpu.memory_space<hbm>> -> memref<8x80xi32, #tpu.memory_space<hbm>>
          tpu.wait_dma2 semaphore(%arg13 : memref<!tpu.dma_semaphore, #tpu.memory_space<semaphore_mem>>) src(%dma_wait3A_268 : memref<8x80xi32, #tpu.memory_space<hbm>>) dst(%dma_wait3A_265 : memref<8x80xi32, #tpu.memory_space<vmem>>)
          %dma_wait3A_269 = arith.constant 0 : i32
          %dma_wait3A_270 = arith.constant 0 : i32
          %dma_wait3A_271 = tpu.memref_slice %arg8[%rem3A_250, %dma_wait3A_269, %dma_wait3A_270] : memref<2x8x80xi32, #tpu.memory_space<vmem>> -> memref<1x8x80xi32, #tpu.memory_space<vmem>>
          %dma_wait3A_272 = tpu.memref_squeeze %dma_wait3A_271 : memref<1x8x80xi32, #tpu.memory_space<vmem>> -> memref<8x80xi32, #tpu.memory_space<vmem>>
          %dma_wait3A_273 = arith.constant 0 : i32
          %dma_wait3A_274 = tpu.memref_slice %arg4[%add3A, %mul3A_254, %dma_wait3A_273] : memref<32x128x80xi32, #tpu.memory_space<hbm>> -> memref<1x8x80xi32, #tpu.memory_space<hbm>>
          %dma_wait3A_275 = tpu.memref_squeeze %dma_wait3A_274 : memref<1x8x80xi32, #tpu.memory_space<hbm>> -> memref<8x80xi32, #tpu.memory_space<hbm>>
          %dma_wait3A_276 = arith.constant 0 : i32
          %dma_wait3A_277 = arith.constant 0 : i32
          %dma_wait3A_278 = tpu.memref_slice %arg8[%rem3A_250, %dma_wait3A_276, %dma_wait3A_277] : memref<2x8x80xi32, #tpu.memory_space<vmem>> -> memref<1x8x80xi32, #tpu.memory_space<vmem>>
          %dma_wait3A_279 = tpu.memref_squeeze %dma_wait3A_278 : memref<1x8x80xi32, #tpu.memory_space<vmem>> -> memref<8x80xi32, #tpu.memory_space<vmem>>
          %dma_wait3A_280 = arith.constant 0 : i32
          %dma_wait3A_281 = tpu.memref_slice %arg4[%add3A, %mul3A_254, %dma_wait3A_280] : memref<32x128x80xi32, #tpu.memory_space<hbm>> -> memref<1x8x80xi32, #tpu.memory_space<hbm>>
          %dma_wait3A_282 = tpu.memref_squeeze %dma_wait3A_281 : memref<1x8x80xi32, #tpu.memory_space<hbm>> -> memref<8x80xi32, #tpu.memory_space<hbm>>
          tpu.wait_dma2 semaphore(%arg13 : memref<!tpu.dma_semaphore, #tpu.memory_space<semaphore_mem>>) src(%dma_wait3A_282 : memref<8x80xi32, #tpu.memory_space<hbm>>) dst(%dma_wait3A_279 : memref<8x80xi32, #tpu.memory_space<vmem>>)
        } else {
        }
        %rem3A_231 = arith.constant 2 : i32
        %rem3A_232 = arith.remsi %div3A_223, %rem3A_231 : i32
        %rem3A_233 = arith.constant 4 : i32
        %rem3A_234 = arith.remsi %add3A_221, %rem3A_233 : i32
        %rem3A_235 = arith.constant 3 : i32
        %rem3A_236 = arith.remsi %add3A_221, %rem3A_235 : i32
        %dma_start3A_237 = arith.constant 0 : i32
        %dma_start3A_238 = arith.constant 0 : i32
        %dma_start3A_239 = tpu.memref_slice %arg9[%rem3A_234, %dma_start3A_237, %dma_start3A_238] : memref<4x80x128xf32, #tpu.memory_space<vmem>> -> memref<1x80x128xf32, #tpu.memory_space<vmem>>
        %dma_start3A_240 = tpu.memref_squeeze %dma_start3A_239 : memref<1x80x128xf32, #tpu.memory_space<vmem>> -> memref<80x128xf32, #tpu.memory_space<vmem>>
        %dma_start3A_241 = arith.constant 0 : i32
        %dma_start3A_242 = tpu.memref_slice %arg7[%rem3A_232, %rem3A_225, %dma_start3A_241] : memref<2x8x80xi32, #tpu.memory_space<vmem>> -> memref<1x1x80xi32, #tpu.memory_space<vmem>>
        %dma_start3A_243 = tpu.memref_squeeze %dma_start3A_242 : memref<1x1x80xi32, #tpu.memory_space<vmem>> -> memref<80xi32, #tpu.memory_space<vmem>>
        %dma_start3A_244 = arith.constant 0 : i32
        %dma_start3A_245 = arith.constant 0 : i32
        %dma_start3A_246 = tpu.memref_slice %arg2[%dma_start3A_244, %dma_start3A_245] : memref<10240x128xf32, #tpu.memory_space<hbm>> -> memref<10240x128xf32, #tpu.memory_space<hbm>>
        %dma_start3A_247 = tpu.memref_slice %arg11[%rem3A_236] : memref<3x!tpu.dma_semaphore, #tpu.memory_space<semaphore_mem>> -> memref<1x!tpu.dma_semaphore, #tpu.memory_space<semaphore_mem>>
        %dma_start3A_248 = tpu.memref_squeeze %dma_start3A_247 : memref<1x!tpu.dma_semaphore, #tpu.memory_space<semaphore_mem>> -> memref<!tpu.dma_semaphore, #tpu.memory_space<semaphore_mem>>
        tpu.enqueue_indirect_dma source(%dma_start3A_246 : memref<10240x128xf32, #tpu.memory_space<hbm>>) target(%dma_start3A_240 : memref<80x128xf32, #tpu.memory_space<vmem>>) offsets(%dma_start3A_243 : memref<80xi32, #tpu.memory_space<vmem>>) semaphore(%dma_start3A_248 : memref<!tpu.dma_semaphore, #tpu.memory_space<semaphore_mem>>)
      } else {
      }
      %dma_start3A_210 = arith.constant 0 : i32
      %dma_start3A_211 = arith.constant 0 : i32
      %dma_start3A_212 = tpu.memref_slice %arg9[%rem3A_176, %dma_start3A_210, %dma_start3A_211] : memref<4x80x128xf32, #tpu.memory_space<vmem>> -> memref<1x80x128xf32, #tpu.memory_space<vmem>>
      %dma_start3A_213 = tpu.memref_squeeze %dma_start3A_212 : memref<1x80x128xf32, #tpu.memory_space<vmem>> -> memref<80x128xf32, #tpu.memory_space<vmem>>
      %dma_start3A_214 = arith.constant 0 : i32
      %dma_start3A_215 = tpu.memref_slice %arg8[%rem3A_174, %rem3A_172, %dma_start3A_214] : memref<2x8x80xi32, #tpu.memory_space<vmem>> -> memref<1x1x80xi32, #tpu.memory_space<vmem>>
      %dma_start3A_216 = tpu.memref_squeeze %dma_start3A_215 : memref<1x1x80xi32, #tpu.memory_space<vmem>> -> memref<80xi32, #tpu.memory_space<vmem>>
      %dma_start3A_217 = arith.constant 0 : i32
      %dma_start3A_218 = arith.constant 0 : i32
      %dma_start3A_219 = tpu.memref_slice %arg10[%dma_start3A_217, %dma_start3A_218] : memref<10240x128xf32, #tpu.memory_space<vmem_shared>> -> memref<10240x128xf32, #tpu.memory_space<vmem_shared>>
      tpu.enqueue_indirect_dma source(%dma_start3A_213 : memref<80x128xf32, #tpu.memory_space<vmem>>) target(%dma_start3A_219 : memref<10240x128xf32, #tpu.memory_space<vmem_shared>>) offsets(%dma_start3A_216 : memref<80xi32, #tpu.memory_space<vmem>>) semaphore(%arg12 : memref<!tpu.dma_semaphore, #tpu.memory_space<semaphore_mem>>) {add = true}
    }
    %scan3A_155 = arith.constant 128 : i32
    %dma_wait3A_156 = arith.constant 3 : i32
    %dma_wait3A_157 = arith.constant 1 : i32
    %dma_wait3A_158 = arith.constant 7 : i32
    %dma_wait3A_159 = arith.constant 0 : i32
    %dma_wait3A_160 = arith.constant 0 : i32
    %dma_wait3A_161 = tpu.memref_slice %arg9[%dma_wait3A_156, %dma_wait3A_159, %dma_wait3A_160] : memref<4x80x128xf32, #tpu.memory_space<vmem>> -> memref<1x80x128xf32, #tpu.memory_space<vmem>>
    %dma_wait3A_162 = tpu.memref_squeeze %dma_wait3A_161 : memref<1x80x128xf32, #tpu.memory_space<vmem>> -> memref<80x128xf32, #tpu.memory_space<vmem>>
    %dma_wait3A_163 = arith.constant 0 : i32
    %dma_wait3A_164 = tpu.memref_slice %arg8[%dma_wait3A_157, %dma_wait3A_158, %dma_wait3A_163] : memref<2x8x80xi32, #tpu.memory_space<vmem>> -> memref<1x1x80xi32, #tpu.memory_space<vmem>>
    %dma_wait3A_165 = tpu.memref_squeeze %dma_wait3A_164 : memref<1x1x80xi32, #tpu.memory_space<vmem>> -> memref<80xi32, #tpu.memory_space<vmem>>
    %dma_wait3A_166 = arith.constant 0 : i32
    %dma_wait3A_167 = arith.constant 0 : i32
    %dma_wait3A_168 = tpu.memref_slice %arg10[%dma_wait3A_166, %dma_wait3A_167] : memref<10240x128xf32, #tpu.memory_space<vmem_shared>> -> memref<10240x128xf32, #tpu.memory_space<vmem_shared>>
    tpu.wait_indirect_dma semaphore(%arg12 : memref<!tpu.dma_semaphore, #tpu.memory_space<semaphore_mem>>) src(%dma_wait3A_162 : memref<80x128xf32, #tpu.memory_space<vmem>>) dst(%dma_wait3A_168 : memref<10240x128xf32, #tpu.memory_space<vmem_shared>>)
    %barrier3A_169 = arith.constant 0 : index
    tpu.barrier barrier_id(%barrier3A_169)
    "tpu.region"() ({
      %run_scoped3A = tpu.sem_alloc : memref<!tpu.dma_semaphore, #tpu.memory_space<semaphore_mem>>
      %dma_start3A_170 = arith.constant 0 : i32
      %dma_start3A_171 = tpu.memref_slice %arg6[%arg0, %mul3A_2, %dma_start3A_170] : memref<2x10240x128xf32, #tpu.memory_space<hbm>> -> memref<1x640x128xf32, #tpu.memory_space<hbm>>
      %dma_start3A_172 = tpu.memref_squeeze %dma_start3A_171 : memref<1x640x128xf32, #tpu.memory_space<hbm>> -> memref<640x128xf32, #tpu.memory_space<hbm>>
      %dma_start3A_173 = arith.constant 0 : i32
      %dma_start3A_174 = tpu.memref_slice %arg10[%mul3A_2, %dma_start3A_173] : memref<10240x128xf32, #tpu.memory_space<vmem_shared>> -> memref<640x128xf32, #tpu.memory_space<vmem_shared>>
      tpu.enqueue_dma source(%dma_start3A_174 : memref<640x128xf32, #tpu.memory_space<vmem_shared>>) target(%dma_start3A_172 : memref<640x128xf32, #tpu.memory_space<hbm>>) target_semaphore(%run_scoped3A : memref<!tpu.dma_semaphore, #tpu.memory_space<semaphore_mem>>)
      %dma_wait3A_175 = arith.constant 0 : i32
      %dma_wait3A_176 = tpu.memref_slice %arg6[%arg0, %mul3A_2, %dma_wait3A_175] : memref<2x10240x128xf32, #tpu.memory_space<hbm>> -> memref<1x640x128xf32, #tpu.memory_space<hbm>>
      %dma_wait3A_177 = tpu.memref_squeeze %dma_wait3A_176 : memref<1x640x128xf32, #tpu.memory_space<hbm>> -> memref<640x128xf32, #tpu.memory_space<hbm>>
      %dma_wait3A_178 = arith.constant 0 : i32
      %dma_wait3A_179 = tpu.memref_slice %arg10[%mul3A_2, %dma_wait3A_178] : memref<10240x128xf32, #tpu.memory_space<vmem_shared>> -> memref<640x128xf32, #tpu.memory_space<vmem_shared>>
      tpu.wait_dma2 semaphore(%run_scoped3A : memref<!tpu.dma_semaphore, #tpu.memory_space<semaphore_mem>>) src(%dma_wait3A_179 : memref<640x128xf32, #tpu.memory_space<vmem_shared>>) dst(%dma_wait3A_177 : memref<640x128xf32, #tpu.memory_space<hbm>>)
      tpu.yield
    }) : () -> ()
    return
  }
}

#map = affine_map<(d0, d1) -> (0, 0)>
#map1 = affine_map<(d0, d1) -> (0, 0, 0)>
module attributes {stable_mosaic.version = 14 : i64} {
  func.func @_scatter_body(%arg0: i32, %arg1: i32, %arg2: memref<10240x128xf32, #tpu.memory_space<hbm>>, %arg3: memref<32x128x80xi32, #tpu.memory_space<hbm>>, %arg4: memref<32x128x80xi32, #tpu.memory_space<hbm>>, %arg5: memref<10240x128xf32, #tpu.memory_space<hbm>>, %arg6: memref<2x10240x128xf32, #tpu.memory_space<hbm>>, %arg7: memref<2x8x80xi32, #tpu.memory_space<vmem>>, %arg8: memref<2x8x80xi32, #tpu.memory_space<vmem>>, %arg9: memref<4x80x128xf32, #tpu.memory_space<vmem>>, %arg10: memref<10240x128xf32, #tpu.memory_space<vmem_shared>>, %arg11: memref<3x!tpu.dma_semaphore, #tpu.memory_space<semaphore_mem>>, %arg12: memref<!tpu.dma_semaphore, #tpu.memory_space<semaphore_mem>>, %arg13: memref<!tpu.dma_semaphore, #tpu.memory_space<semaphore_mem>>) attributes {dimension_semantics = [#tpu.dimension_semantics<core_parallel>, #tpu.dimension_semantics<subcore_parallel>], iteration_bounds = array<i64: 2, 16>, scalar_prefetch = 0 : i64, scratch_operands = 7 : i64, tpu.core_type = #tpu.core_type<sc_vector_subcore>, window_params = [{transform_indices = #map}, {transform_indices = #map1}, {transform_indices = #map1}, {transform_indices = #map}, {transform_indices = #map1}]} {
    %mul3A = arith.constant 16 : i32
    %mul3A_0 = arith.muli %arg0, %mul3A : i32
    %add3A = arith.addi %mul3A_0, %arg1 : i32
    %mul3A_1 = arith.constant 640 : i32
    %mul3A_2 = arith.muli %arg1, %mul3A_1 : i32
    %dma_start3A = arith.constant 0 : i32
    %dma_start3A_3 = arith.constant 0 : i32
    %dma_start3A_4 = arith.constant 0 : i32
    %dma_start3A_5 = tpu.memref_slice %arg7[%dma_start3A, %dma_start3A_3, %dma_start3A_4] : memref<2x8x80xi32, #tpu.memory_space<vmem>> -> memref<1x8x80xi32, #tpu.memory_space<vmem>>
    %dma_start3A_6 = tpu.memref_squeeze %dma_start3A_5 : memref<1x8x80xi32, #tpu.memory_space<vmem>> -> memref<8x80xi32, #tpu.memory_space<vmem>>
    %dma_start3A_7 = arith.constant 0 : i32
    %dma_start3A_8 = arith.constant 0 : i32
    %dma_start3A_9 = tpu.memref_slice %arg3[%add3A, %dma_start3A_7, %dma_start3A_8] : memref<32x128x80xi32, #tpu.memory_space<hbm>> -> memref<1x8x80xi32, #tpu.memory_space<hbm>>
    %dma_start3A_10 = tpu.memref_squeeze %dma_start3A_9 : memref<1x8x80xi32, #tpu.memory_space<hbm>> -> memref<8x80xi32, #tpu.memory_space<hbm>>
    %dma_start3A_11 = arith.constant 0 : i32
    %dma_start3A_12 = arith.constant 0 : i32
    %dma_start3A_13 = tpu.memref_slice %arg7[%dma_start3A, %dma_start3A_11, %dma_start3A_12] : memref<2x8x80xi32, #tpu.memory_space<vmem>> -> memref<1x8x80xi32, #tpu.memory_space<vmem>>
    %dma_start3A_14 = tpu.memref_squeeze %dma_start3A_13 : memref<1x8x80xi32, #tpu.memory_space<vmem>> -> memref<8x80xi32, #tpu.memory_space<vmem>>
    %dma_start3A_15 = arith.constant 0 : i32
    %dma_start3A_16 = arith.constant 0 : i32
    %dma_start3A_17 = tpu.memref_slice %arg3[%add3A, %dma_start3A_15, %dma_start3A_16] : memref<32x128x80xi32, #tpu.memory_space<hbm>> -> memref<1x8x80xi32, #tpu.memory_space<hbm>>
    %dma_start3A_18 = tpu.memref_squeeze %dma_start3A_17 : memref<1x8x80xi32, #tpu.memory_space<hbm>> -> memref<8x80xi32, #tpu.memory_space<hbm>>
    tpu.enqueue_dma source(%dma_start3A_18 : memref<8x80xi32, #tpu.memory_space<hbm>>) target(%dma_start3A_14 : memref<8x80xi32, #tpu.memory_space<vmem>>) target_semaphore(%arg13 : memref<!tpu.dma_semaphore, #tpu.memory_space<semaphore_mem>>)
    %dma_start3A_19 = arith.constant 0 : i32
    %dma_start3A_20 = arith.constant 0 : i32
    %dma_start3A_21 = arith.constant 0 : i32
    %dma_start3A_22 = tpu.memref_slice %arg8[%dma_start3A_19, %dma_start3A_20, %dma_start3A_21] : memref<2x8x80xi32, #tpu.memory_space<vmem>> -> memref<1x8x80xi32, #tpu.memory_space<vmem>>
    %dma_start3A_23 = tpu.memref_squeeze %dma_start3A_22 : memref<1x8x80xi32, #tpu.memory_space<vmem>> -> memref<8x80xi32, #tpu.memory_space<vmem>>
    %dma_start3A_24 = arith.constant 0 : i32
    %dma_start3A_25 = arith.constant 0 : i32
    %dma_start3A_26 = tpu.memref_slice %arg4[%add3A, %dma_start3A_24, %dma_start3A_25] : memref<32x128x80xi32, #tpu.memory_space<hbm>> -> memref<1x8x80xi32, #tpu.memory_space<hbm>>
    %dma_start3A_27 = tpu.memref_squeeze %dma_start3A_26 : memref<1x8x80xi32, #tpu.memory_space<hbm>> -> memref<8x80xi32, #tpu.memory_space<hbm>>
    %dma_start3A_28 = arith.constant 0 : i32
    %dma_start3A_29 = arith.constant 0 : i32
    %dma_start3A_30 = tpu.memref_slice %arg8[%dma_start3A_19, %dma_start3A_28, %dma_start3A_29] : memref<2x8x80xi32, #tpu.memory_space<vmem>> -> memref<1x8x80xi32, #tpu.memory_space<vmem>>
    %dma_start3A_31 = tpu.memref_squeeze %dma_start3A_30 : memref<1x8x80xi32, #tpu.memory_space<vmem>> -> memref<8x80xi32, #tpu.memory_space<vmem>>
    %dma_start3A_32 = arith.constant 0 : i32
    %dma_start3A_33 = arith.constant 0 : i32
    %dma_start3A_34 = tpu.memref_slice %arg4[%add3A, %dma_start3A_32, %dma_start3A_33] : memref<32x128x80xi32, #tpu.memory_space<hbm>> -> memref<1x8x80xi32, #tpu.memory_space<hbm>>
    %dma_start3A_35 = tpu.memref_squeeze %dma_start3A_34 : memref<1x8x80xi32, #tpu.memory_space<hbm>> -> memref<8x80xi32, #tpu.memory_space<hbm>>
    tpu.enqueue_dma source(%dma_start3A_35 : memref<8x80xi32, #tpu.memory_space<hbm>>) target(%dma_start3A_31 : memref<8x80xi32, #tpu.memory_space<vmem>>) target_semaphore(%arg13 : memref<!tpu.dma_semaphore, #tpu.memory_space<semaphore_mem>>)
    "tpu.region"() ({
      %run_scoped3A = tpu.sem_alloc : memref<!tpu.dma_semaphore, #tpu.memory_space<semaphore_mem>>
      %dma_start3A_170 = arith.constant 0 : i32
      %dma_start3A_171 = tpu.memref_slice %arg10[%mul3A_2, %dma_start3A_170] : memref<10240x128xf32, #tpu.memory_space<vmem_shared>> -> memref<640x128xf32, #tpu.memory_space<vmem_shared>>
      %dma_start3A_172 = arith.constant 0 : i32
      %dma_start3A_173 = tpu.memref_slice %arg5[%mul3A_2, %dma_start3A_172] : memref<10240x128xf32, #tpu.memory_space<hbm>> -> memref<640x128xf32, #tpu.memory_space<hbm>>
      tpu.enqueue_dma source(%dma_start3A_173 : memref<640x128xf32, #tpu.memory_space<hbm>>) target(%dma_start3A_171 : memref<640x128xf32, #tpu.memory_space<vmem_shared>>) target_semaphore(%run_scoped3A : memref<!tpu.dma_semaphore, #tpu.memory_space<semaphore_mem>>)
      %dma_wait3A_174 = arith.constant 0 : i32
      %dma_wait3A_175 = tpu.memref_slice %arg10[%mul3A_2, %dma_wait3A_174] : memref<10240x128xf32, #tpu.memory_space<vmem_shared>> -> memref<640x128xf32, #tpu.memory_space<vmem_shared>>
      %dma_wait3A_176 = arith.constant 0 : i32
      %dma_wait3A_177 = tpu.memref_slice %arg5[%mul3A_2, %dma_wait3A_176] : memref<10240x128xf32, #tpu.memory_space<hbm>> -> memref<640x128xf32, #tpu.memory_space<hbm>>
      tpu.wait_dma2 semaphore(%run_scoped3A : memref<!tpu.dma_semaphore, #tpu.memory_space<semaphore_mem>>) src(%dma_wait3A_177 : memref<640x128xf32, #tpu.memory_space<hbm>>) dst(%dma_wait3A_175 : memref<640x128xf32, #tpu.memory_space<vmem_shared>>)
      tpu.yield
    }) : () -> ()
    %dma_wait3A = arith.constant 0 : i32
    %dma_wait3A_36 = arith.constant 0 : i32
    %dma_wait3A_37 = arith.constant 0 : i32
    %dma_wait3A_38 = tpu.memref_slice %arg7[%dma_wait3A, %dma_wait3A_36, %dma_wait3A_37] : memref<2x8x80xi32, #tpu.memory_space<vmem>> -> memref<1x8x80xi32, #tpu.memory_space<vmem>>
    %dma_wait3A_39 = tpu.memref_squeeze %dma_wait3A_38 : memref<1x8x80xi32, #tpu.memory_space<vmem>> -> memref<8x80xi32, #tpu.memory_space<vmem>>
    %dma_wait3A_40 = arith.constant 0 : i32
    %dma_wait3A_41 = arith.constant 0 : i32
    %dma_wait3A_42 = tpu.memref_slice %arg3[%add3A, %dma_wait3A_40, %dma_wait3A_41] : memref<32x128x80xi32, #tpu.memory_space<hbm>> -> memref<1x8x80xi32, #tpu.memory_space<hbm>>
    %dma_wait3A_43 = tpu.memref_squeeze %dma_wait3A_42 : memref<1x8x80xi32, #tpu.memory_space<hbm>> -> memref<8x80xi32, #tpu.memory_space<hbm>>
    %dma_wait3A_44 = arith.constant 0 : i32
    %dma_wait3A_45 = arith.constant 0 : i32
    %dma_wait3A_46 = tpu.memref_slice %arg7[%dma_wait3A, %dma_wait3A_44, %dma_wait3A_45] : memref<2x8x80xi32, #tpu.memory_space<vmem>> -> memref<1x8x80xi32, #tpu.memory_space<vmem>>
    %dma_wait3A_47 = tpu.memref_squeeze %dma_wait3A_46 : memref<1x8x80xi32, #tpu.memory_space<vmem>> -> memref<8x80xi32, #tpu.memory_space<vmem>>
    %dma_wait3A_48 = arith.constant 0 : i32
    %dma_wait3A_49 = arith.constant 0 : i32
    %dma_wait3A_50 = tpu.memref_slice %arg3[%add3A, %dma_wait3A_48, %dma_wait3A_49] : memref<32x128x80xi32, #tpu.memory_space<hbm>> -> memref<1x8x80xi32, #tpu.memory_space<hbm>>
    %dma_wait3A_51 = tpu.memref_squeeze %dma_wait3A_50 : memref<1x8x80xi32, #tpu.memory_space<hbm>> -> memref<8x80xi32, #tpu.memory_space<hbm>>
    tpu.wait_dma2 semaphore(%arg13 : memref<!tpu.dma_semaphore, #tpu.memory_space<semaphore_mem>>) src(%dma_wait3A_51 : memref<8x80xi32, #tpu.memory_space<hbm>>) dst(%dma_wait3A_47 : memref<8x80xi32, #tpu.memory_space<vmem>>)
    %dma_wait3A_52 = arith.constant 0 : i32
    %dma_wait3A_53 = arith.constant 0 : i32
    %dma_wait3A_54 = arith.constant 0 : i32
    %dma_wait3A_55 = tpu.memref_slice %arg8[%dma_wait3A_52, %dma_wait3A_53, %dma_wait3A_54] : memref<2x8x80xi32, #tpu.memory_space<vmem>> -> memref<1x8x80xi32, #tpu.memory_space<vmem>>
    %dma_wait3A_56 = tpu.memref_squeeze %dma_wait3A_55 : memref<1x8x80xi32, #tpu.memory_space<vmem>> -> memref<8x80xi32, #tpu.memory_space<vmem>>
    %dma_wait3A_57 = arith.constant 0 : i32
    %dma_wait3A_58 = arith.constant 0 : i32
    %dma_wait3A_59 = tpu.memref_slice %arg4[%add3A, %dma_wait3A_57, %dma_wait3A_58] : memref<32x128x80xi32, #tpu.memory_space<hbm>> -> memref<1x8x80xi32, #tpu.memory_space<hbm>>
    %dma_wait3A_60 = tpu.memref_squeeze %dma_wait3A_59 : memref<1x8x80xi32, #tpu.memory_space<hbm>> -> memref<8x80xi32, #tpu.memory_space<hbm>>
    %dma_wait3A_61 = arith.constant 0 : i32
    %dma_wait3A_62 = arith.constant 0 : i32
    %dma_wait3A_63 = tpu.memref_slice %arg8[%dma_wait3A_52, %dma_wait3A_61, %dma_wait3A_62] : memref<2x8x80xi32, #tpu.memory_space<vmem>> -> memref<1x8x80xi32, #tpu.memory_space<vmem>>
    %dma_wait3A_64 = tpu.memref_squeeze %dma_wait3A_63 : memref<1x8x80xi32, #tpu.memory_space<vmem>> -> memref<8x80xi32, #tpu.memory_space<vmem>>
    %dma_wait3A_65 = arith.constant 0 : i32
    %dma_wait3A_66 = arith.constant 0 : i32
    %dma_wait3A_67 = tpu.memref_slice %arg4[%add3A, %dma_wait3A_65, %dma_wait3A_66] : memref<32x128x80xi32, #tpu.memory_space<hbm>> -> memref<1x8x80xi32, #tpu.memory_space<hbm>>
    %dma_wait3A_68 = tpu.memref_squeeze %dma_wait3A_67 : memref<1x8x80xi32, #tpu.memory_space<hbm>> -> memref<8x80xi32, #tpu.memory_space<hbm>>
    tpu.wait_dma2 semaphore(%arg13 : memref<!tpu.dma_semaphore, #tpu.memory_space<semaphore_mem>>) src(%dma_wait3A_68 : memref<8x80xi32, #tpu.memory_space<hbm>>) dst(%dma_wait3A_64 : memref<8x80xi32, #tpu.memory_space<vmem>>)
    %dma_start3A_69 = arith.constant 1 : i32
    %dma_start3A_70 = arith.constant 0 : i32
    %dma_start3A_71 = arith.constant 0 : i32
    %dma_start3A_72 = tpu.memref_slice %arg7[%dma_start3A_69, %dma_start3A_70, %dma_start3A_71] : memref<2x8x80xi32, #tpu.memory_space<vmem>> -> memref<1x8x80xi32, #tpu.memory_space<vmem>>
    %dma_start3A_73 = tpu.memref_squeeze %dma_start3A_72 : memref<1x8x80xi32, #tpu.memory_space<vmem>> -> memref<8x80xi32, #tpu.memory_space<vmem>>
    %dma_start3A_74 = arith.constant 8 : i32
    %dma_start3A_75 = arith.constant 0 : i32
    %dma_start3A_76 = tpu.memref_slice %arg3[%add3A, %dma_start3A_74, %dma_start3A_75] : memref<32x128x80xi32, #tpu.memory_space<hbm>> -> memref<1x8x80xi32, #tpu.memory_space<hbm>>
    %dma_start3A_77 = tpu.memref_squeeze %dma_start3A_76 : memref<1x8x80xi32, #tpu.memory_space<hbm>> -> memref<8x80xi32, #tpu.memory_space<hbm>>
    %dma_start3A_78 = arith.constant 0 : i32
    %dma_start3A_79 = arith.constant 0 : i32
    %dma_start3A_80 = tpu.memref_slice %arg7[%dma_start3A_69, %dma_start3A_78, %dma_start3A_79] : memref<2x8x80xi32, #tpu.memory_space<vmem>> -> memref<1x8x80xi32, #tpu.memory_space<vmem>>
    %dma_start3A_81 = tpu.memref_squeeze %dma_start3A_80 : memref<1x8x80xi32, #tpu.memory_space<vmem>> -> memref<8x80xi32, #tpu.memory_space<vmem>>
    %dma_start3A_82 = arith.constant 8 : i32
    %dma_start3A_83 = arith.constant 0 : i32
    %dma_start3A_84 = tpu.memref_slice %arg3[%add3A, %dma_start3A_82, %dma_start3A_83] : memref<32x128x80xi32, #tpu.memory_space<hbm>> -> memref<1x8x80xi32, #tpu.memory_space<hbm>>
    %dma_start3A_85 = tpu.memref_squeeze %dma_start3A_84 : memref<1x8x80xi32, #tpu.memory_space<hbm>> -> memref<8x80xi32, #tpu.memory_space<hbm>>
    tpu.enqueue_dma source(%dma_start3A_85 : memref<8x80xi32, #tpu.memory_space<hbm>>) target(%dma_start3A_81 : memref<8x80xi32, #tpu.memory_space<vmem>>) target_semaphore(%arg13 : memref<!tpu.dma_semaphore, #tpu.memory_space<semaphore_mem>>)
    %dma_start3A_86 = arith.constant 1 : i32
    %dma_start3A_87 = arith.constant 0 : i32
    %dma_start3A_88 = arith.constant 0 : i32
    %dma_start3A_89 = tpu.memref_slice %arg8[%dma_start3A_86, %dma_start3A_87, %dma_start3A_88] : memref<2x8x80xi32, #tpu.memory_space<vmem>> -> memref<1x8x80xi32, #tpu.memory_space<vmem>>
    %dma_start3A_90 = tpu.memref_squeeze %dma_start3A_89 : memref<1x8x80xi32, #tpu.memory_space<vmem>> -> memref<8x80xi32, #tpu.memory_space<vmem>>
    %dma_start3A_91 = arith.constant 8 : i32
    %dma_start3A_92 = arith.constant 0 : i32
    %dma_start3A_93 = tpu.memref_slice %arg4[%add3A, %dma_start3A_91, %dma_start3A_92] : memref<32x128x80xi32, #tpu.memory_space<hbm>> -> memref<1x8x80xi32, #tpu.memory_space<hbm>>
    %dma_start3A_94 = tpu.memref_squeeze %dma_start3A_93 : memref<1x8x80xi32, #tpu.memory_space<hbm>> -> memref<8x80xi32, #tpu.memory_space<hbm>>
    %dma_start3A_95 = arith.constant 0 : i32
    %dma_start3A_96 = arith.constant 0 : i32
    %dma_start3A_97 = tpu.memref_slice %arg8[%dma_start3A_86, %dma_start3A_95, %dma_start3A_96] : memref<2x8x80xi32, #tpu.memory_space<vmem>> -> memref<1x8x80xi32, #tpu.memory_space<vmem>>
    %dma_start3A_98 = tpu.memref_squeeze %dma_start3A_97 : memref<1x8x80xi32, #tpu.memory_space<vmem>> -> memref<8x80xi32, #tpu.memory_space<vmem>>
    %dma_start3A_99 = arith.constant 8 : i32
    %dma_start3A_100 = arith.constant 0 : i32
    %dma_start3A_101 = tpu.memref_slice %arg4[%add3A, %dma_start3A_99, %dma_start3A_100] : memref<32x128x80xi32, #tpu.memory_space<hbm>> -> memref<1x8x80xi32, #tpu.memory_space<hbm>>
    %dma_start3A_102 = tpu.memref_squeeze %dma_start3A_101 : memref<1x8x80xi32, #tpu.memory_space<hbm>> -> memref<8x80xi32, #tpu.memory_space<hbm>>
    tpu.enqueue_dma source(%dma_start3A_102 : memref<8x80xi32, #tpu.memory_space<hbm>>) target(%dma_start3A_98 : memref<8x80xi32, #tpu.memory_space<vmem>>) target_semaphore(%arg13 : memref<!tpu.dma_semaphore, #tpu.memory_space<semaphore_mem>>)
    %dma_start3A_103 = arith.constant 0 : i32
    %dma_start3A_104 = arith.constant 0 : i32
    %dma_start3A_105 = arith.constant 0 : i32
    %dma_start3A_106 = arith.constant 0 : i32
    %dma_start3A_107 = arith.constant 0 : i32
    %dma_start3A_108 = arith.constant 0 : i32
    %dma_start3A_109 = tpu.memref_slice %arg9[%dma_start3A_105, %dma_start3A_107, %dma_start3A_108] : memref<4x80x128xf32, #tpu.memory_space<vmem>> -> memref<1x80x128xf32, #tpu.memory_space<vmem>>
    %dma_start3A_110 = tpu.memref_squeeze %dma_start3A_109 : memref<1x80x128xf32, #tpu.memory_space<vmem>> -> memref<80x128xf32, #tpu.memory_space<vmem>>
    %dma_start3A_111 = arith.constant 0 : i32
    %dma_start3A_112 = tpu.memref_slice %arg7[%dma_start3A_103, %dma_start3A_104, %dma_start3A_111] : memref<2x8x80xi32, #tpu.memory_space<vmem>> -> memref<1x1x80xi32, #tpu.memory_space<vmem>>
    %dma_start3A_113 = tpu.memref_squeeze %dma_start3A_112 : memref<1x1x80xi32, #tpu.memory_space<vmem>> -> memref<80xi32, #tpu.memory_space<vmem>>
    %dma_start3A_114 = arith.constant 0 : i32
    %dma_start3A_115 = arith.constant 0 : i32
    %dma_start3A_116 = tpu.memref_slice %arg2[%dma_start3A_114, %dma_start3A_115] : memref<10240x128xf32, #tpu.memory_space<hbm>> -> memref<10240x128xf32, #tpu.memory_space<hbm>>
    %dma_start3A_117 = tpu.memref_slice %arg11[%dma_start3A_106] : memref<3x!tpu.dma_semaphore, #tpu.memory_space<semaphore_mem>> -> memref<1x!tpu.dma_semaphore, #tpu.memory_space<semaphore_mem>>
    %dma_start3A_118 = tpu.memref_squeeze %dma_start3A_117 : memref<1x!tpu.dma_semaphore, #tpu.memory_space<semaphore_mem>> -> memref<!tpu.dma_semaphore, #tpu.memory_space<semaphore_mem>>
    tpu.enqueue_indirect_dma source(%dma_start3A_116 : memref<10240x128xf32, #tpu.memory_space<hbm>>) target(%dma_start3A_110 : memref<80x128xf32, #tpu.memory_space<vmem>>) offsets(%dma_start3A_113 : memref<80xi32, #tpu.memory_space<vmem>>) semaphore(%dma_start3A_118 : memref<!tpu.dma_semaphore, #tpu.memory_space<semaphore_mem>>)
    %dma_start3A_119 = arith.constant 0 : i32
    %dma_start3A_120 = arith.constant 1 : i32
    %dma_start3A_121 = arith.constant 1 : i32
    %dma_start3A_122 = arith.constant 1 : i32
    %dma_start3A_123 = arith.constant 0 : i32
    %dma_start3A_124 = arith.constant 0 : i32
    %dma_start3A_125 = tpu.memref_slice %arg9[%dma_start3A_121, %dma_start3A_123, %dma_start3A_124] : memref<4x80x128xf32, #tpu.memory_space<vmem>> -> memref<1x80x128xf32, #tpu.memory_space<vmem>>
    %dma_start3A_126 = tpu.memref_squeeze %dma_start3A_125 : memref<1x80x128xf32, #tpu.memory_space<vmem>> -> memref<80x128xf32, #tpu.memory_space<vmem>>
    %dma_start3A_127 = arith.constant 0 : i32
    %dma_start3A_128 = tpu.memref_slice %arg7[%dma_start3A_119, %dma_start3A_120, %dma_start3A_127] : memref<2x8x80xi32, #tpu.memory_space<vmem>> -> memref<1x1x80xi32, #tpu.memory_space<vmem>>
    %dma_start3A_129 = tpu.memref_squeeze %dma_start3A_128 : memref<1x1x80xi32, #tpu.memory_space<vmem>> -> memref<80xi32, #tpu.memory_space<vmem>>
    %dma_start3A_130 = arith.constant 0 : i32
    %dma_start3A_131 = arith.constant 0 : i32
    %dma_start3A_132 = tpu.memref_slice %arg2[%dma_start3A_130, %dma_start3A_131] : memref<10240x128xf32, #tpu.memory_space<hbm>> -> memref<10240x128xf32, #tpu.memory_space<hbm>>
    %dma_start3A_133 = tpu.memref_slice %arg11[%dma_start3A_122] : memref<3x!tpu.dma_semaphore, #tpu.memory_space<semaphore_mem>> -> memref<1x!tpu.dma_semaphore, #tpu.memory_space<semaphore_mem>>
    %dma_start3A_134 = tpu.memref_squeeze %dma_start3A_133 : memref<1x!tpu.dma_semaphore, #tpu.memory_space<semaphore_mem>> -> memref<!tpu.dma_semaphore, #tpu.memory_space<semaphore_mem>>
    tpu.enqueue_indirect_dma source(%dma_start3A_132 : memref<10240x128xf32, #tpu.memory_space<hbm>>) target(%dma_start3A_126 : memref<80x128xf32, #tpu.memory_space<vmem>>) offsets(%dma_start3A_129 : memref<80xi32, #tpu.memory_space<vmem>>) semaphore(%dma_start3A_134 : memref<!tpu.dma_semaphore, #tpu.memory_space<semaphore_mem>>)
    %dma_start3A_135 = arith.constant 0 : i32
    %dma_start3A_136 = arith.constant 2 : i32
    %dma_start3A_137 = arith.constant 2 : i32
    %dma_start3A_138 = arith.constant 2 : i32
    %dma_start3A_139 = arith.constant 0 : i32
    %dma_start3A_140 = arith.constant 0 : i32
    %dma_start3A_141 = tpu.memref_slice %arg9[%dma_start3A_137, %dma_start3A_139, %dma_start3A_140] : memref<4x80x128xf32, #tpu.memory_space<vmem>> -> memref<1x80x128xf32, #tpu.memory_space<vmem>>
    %dma_start3A_142 = tpu.memref_squeeze %dma_start3A_141 : memref<1x80x128xf32, #tpu.memory_space<vmem>> -> memref<80x128xf32, #tpu.memory_space<vmem>>
    %dma_start3A_143 = arith.constant 0 : i32
    %dma_start3A_144 = tpu.memref_slice %arg7[%dma_start3A_135, %dma_start3A_136, %dma_start3A_143] : memref<2x8x80xi32, #tpu.memory_space<vmem>> -> memref<1x1x80xi32, #tpu.memory_space<vmem>>
    %dma_start3A_145 = tpu.memref_squeeze %dma_start3A_144 : memref<1x1x80xi32, #tpu.memory_space<vmem>> -> memref<80xi32, #tpu.memory_space<vmem>>
    %dma_start3A_146 = arith.constant 0 : i32
    %dma_start3A_147 = arith.constant 0 : i32
    %dma_start3A_148 = tpu.memref_slice %arg2[%dma_start3A_146, %dma_start3A_147] : memref<10240x128xf32, #tpu.memory_space<hbm>> -> memref<10240x128xf32, #tpu.memory_space<hbm>>
    %dma_start3A_149 = tpu.memref_slice %arg11[%dma_start3A_138] : memref<3x!tpu.dma_semaphore, #tpu.memory_space<semaphore_mem>> -> memref<1x!tpu.dma_semaphore, #tpu.memory_space<semaphore_mem>>
    %dma_start3A_150 = tpu.memref_squeeze %dma_start3A_149 : memref<1x!tpu.dma_semaphore, #tpu.memory_space<semaphore_mem>> -> memref<!tpu.dma_semaphore, #tpu.memory_space<semaphore_mem>>
    tpu.enqueue_indirect_dma source(%dma_start3A_148 : memref<10240x128xf32, #tpu.memory_space<hbm>>) target(%dma_start3A_142 : memref<80x128xf32, #tpu.memory_space<vmem>>) offsets(%dma_start3A_145 : memref<80xi32, #tpu.memory_space<vmem>>) semaphore(%dma_start3A_150 : memref<!tpu.dma_semaphore, #tpu.memory_space<semaphore_mem>>)
    %barrier3A = arith.constant 0 : index
    tpu.barrier barrier_id(%barrier3A)
    %scan3A = arith.constant 0 : i32
    %scan3A_151 = arith.constant 0 : i32
    %scan3A_152 = arith.constant 128 : i32
    %scan3A_153 = arith.addi %scan3A_151, %scan3A_152 : i32
    %scan3A_154 = arith.constant 1 : i32
    scf.for %scan3A_170 = %scan3A_151 to %scan3A_153 step %scan3A_154  : i32 {
      %div3A = arith.constant 8 : i32
      %div3A_171 = arith.divsi %scan3A_170, %div3A : i32
      %rem3A = arith.constant 8 : i32
      %rem3A_172 = arith.remsi %scan3A_170, %rem3A : i32
      %rem3A_173 = arith.constant 2 : i32
      %rem3A_174 = arith.remsi %div3A_171, %rem3A_173 : i32
      %rem3A_175 = arith.constant 4 : i32
      %rem3A_176 = arith.remsi %scan3A_170, %rem3A_175 : i32
      %rem3A_177 = arith.constant 3 : i32
      %rem3A_178 = arith.remsi %scan3A_170, %rem3A_177 : i32
      %eq3A = arith.constant 0 : i32
      %eq3A_179 = arith.cmpi eq, %rem3A_172, %eq3A : i32
      %gt3A = arith.constant 0 : i32
      %gt3A_180 = arith.cmpi sgt, %scan3A_170, %gt3A : i32
      %and3A = arith.andi %eq3A_179, %gt3A_180 : i1
      %add3A_181 = arith.constant 1 : i32
      %add3A_182 = arith.addi %div3A_171, %add3A_181 : i32
      %lt3A = arith.constant 16 : i32
      %lt3A_183 = arith.cmpi slt, %add3A_182, %lt3A : i32
      %and3A_184 = arith.andi %and3A, %lt3A_183 : i1
      %convert_element_type3A = arith.extui %and3A_184 : i1 to i32
      %cond3A = arith.constant 0 : i32
      %cond3A_185 = arith.cmpi ne, %convert_element_type3A, %cond3A : i32
      scf.if %cond3A_185 {
        %add3A_220 = arith.constant 1 : i32
        %add3A_221 = arith.addi %div3A_171, %add3A_220 : i32
        %add3A_222 = arith.constant 1 : i32
        %add3A_223 = arith.addi %div3A_171, %add3A_222 : i32
        %rem3A_224 = arith.constant 2 : i32
        %rem3A_225 = arith.remsi %add3A_223, %rem3A_224 : i32
        %mul3A_226 = arith.constant 8 : i32
        %mul3A_227 = arith.muli %add3A_221, %mul3A_226 : i32
        %mul3A_228 = arith.constant 8 : i32
        %mul3A_229 = arith.muli %add3A_221, %mul3A_228 : i32
        %dma_start3A_230 = arith.constant 0 : i32
        %dma_start3A_231 = arith.constant 0 : i32
        %dma_start3A_232 = tpu.memref_slice %arg7[%rem3A_225, %dma_start3A_230, %dma_start3A_231] : memref<2x8x80xi32, #tpu.memory_space<vmem>> -> memref<1x8x80xi32, #tpu.memory_space<vmem>>
        %dma_start3A_233 = tpu.memref_squeeze %dma_start3A_232 : memref<1x8x80xi32, #tpu.memory_space<vmem>> -> memref<8x80xi32, #tpu.memory_space<vmem>>
        %dma_start3A_234 = arith.constant 0 : i32
        %dma_start3A_235 = tpu.memref_slice %arg3[%add3A, %mul3A_227, %dma_start3A_234] : memref<32x128x80xi32, #tpu.memory_space<hbm>> -> memref<1x8x80xi32, #tpu.memory_space<hbm>>
        %dma_start3A_236 = tpu.memref_squeeze %dma_start3A_235 : memref<1x8x80xi32, #tpu.memory_space<hbm>> -> memref<8x80xi32, #tpu.memory_space<hbm>>
        %dma_start3A_237 = arith.constant 0 : i32
        %dma_start3A_238 = arith.constant 0 : i32
        %dma_start3A_239 = tpu.memref_slice %arg7[%rem3A_225, %dma_start3A_237, %dma_start3A_238] : memref<2x8x80xi32, #tpu.memory_space<vmem>> -> memref<1x8x80xi32, #tpu.memory_space<vmem>>
        %dma_start3A_240 = tpu.memref_squeeze %dma_start3A_239 : memref<1x8x80xi32, #tpu.memory_space<vmem>> -> memref<8x80xi32, #tpu.memory_space<vmem>>
        %dma_start3A_241 = arith.constant 0 : i32
        %dma_start3A_242 = tpu.memref_slice %arg3[%add3A, %mul3A_227, %dma_start3A_241] : memref<32x128x80xi32, #tpu.memory_space<hbm>> -> memref<1x8x80xi32, #tpu.memory_space<hbm>>
        %dma_start3A_243 = tpu.memref_squeeze %dma_start3A_242 : memref<1x8x80xi32, #tpu.memory_space<hbm>> -> memref<8x80xi32, #tpu.memory_space<hbm>>
        tpu.enqueue_dma source(%dma_start3A_243 : memref<8x80xi32, #tpu.memory_space<hbm>>) target(%dma_start3A_240 : memref<8x80xi32, #tpu.memory_space<vmem>>) target_semaphore(%arg13 : memref<!tpu.dma_semaphore, #tpu.memory_space<semaphore_mem>>)
        %dma_start3A_244 = arith.constant 0 : i32
        %dma_start3A_245 = arith.constant 0 : i32
        %dma_start3A_246 = tpu.memref_slice %arg8[%rem3A_225, %dma_start3A_244, %dma_start3A_245] : memref<2x8x80xi32, #tpu.memory_space<vmem>> -> memref<1x8x80xi32, #tpu.memory_space<vmem>>
        %dma_start3A_247 = tpu.memref_squeeze %dma_start3A_246 : memref<1x8x80xi32, #tpu.memory_space<vmem>> -> memref<8x80xi32, #tpu.memory_space<vmem>>
        %dma_start3A_248 = arith.constant 0 : i32
        %dma_start3A_249 = tpu.memref_slice %arg4[%add3A, %mul3A_229, %dma_start3A_248] : memref<32x128x80xi32, #tpu.memory_space<hbm>> -> memref<1x8x80xi32, #tpu.memory_space<hbm>>
        %dma_start3A_250 = tpu.memref_squeeze %dma_start3A_249 : memref<1x8x80xi32, #tpu.memory_space<hbm>> -> memref<8x80xi32, #tpu.memory_space<hbm>>
        %dma_start3A_251 = arith.constant 0 : i32
        %dma_start3A_252 = arith.constant 0 : i32
        %dma_start3A_253 = tpu.memref_slice %arg8[%rem3A_225, %dma_start3A_251, %dma_start3A_252] : memref<2x8x80xi32, #tpu.memory_space<vmem>> -> memref<1x8x80xi32, #tpu.memory_space<vmem>>
        %dma_start3A_254 = tpu.memref_squeeze %dma_start3A_253 : memref<1x8x80xi32, #tpu.memory_space<vmem>> -> memref<8x80xi32, #tpu.memory_space<vmem>>
        %dma_start3A_255 = arith.constant 0 : i32
        %dma_start3A_256 = tpu.memref_slice %arg4[%add3A, %mul3A_229, %dma_start3A_255] : memref<32x128x80xi32, #tpu.memory_space<hbm>> -> memref<1x8x80xi32, #tpu.memory_space<hbm>>
        %dma_start3A_257 = tpu.memref_squeeze %dma_start3A_256 : memref<1x8x80xi32, #tpu.memory_space<hbm>> -> memref<8x80xi32, #tpu.memory_space<hbm>>
        tpu.enqueue_dma source(%dma_start3A_257 : memref<8x80xi32, #tpu.memory_space<hbm>>) target(%dma_start3A_254 : memref<8x80xi32, #tpu.memory_space<vmem>>) target_semaphore(%arg13 : memref<!tpu.dma_semaphore, #tpu.memory_space<semaphore_mem>>)
      } else {
      }
      %gt3A_186 = arith.constant 0 : i32
      %gt3A_187 = arith.cmpi sgt, %scan3A_170, %gt3A_186 : i32
      %convert_element_type3A_188 = arith.extui %gt3A_187 : i1 to i32
      %cond3A_189 = arith.constant 0 : i32
      %cond3A_190 = arith.cmpi ne, %convert_element_type3A_188, %cond3A_189 : i32
      scf.if %cond3A_190 {
        %sub3A = arith.constant 1 : i32
        %sub3A_220 = arith.subi %scan3A_170, %sub3A : i32
        %div3A_221 = arith.constant 8 : i32
        %div3A_222 = arith.divsi %sub3A_220, %div3A_221 : i32
        %rem3A_223 = arith.constant 2 : i32
        %rem3A_224 = arith.remsi %div3A_222, %rem3A_223 : i32
        %rem3A_225 = arith.constant 8 : i32
        %rem3A_226 = arith.remsi %sub3A_220, %rem3A_225 : i32
        %rem3A_227 = arith.constant 4 : i32
        %rem3A_228 = arith.remsi %sub3A_220, %rem3A_227 : i32
        %dma_wait3A_229 = arith.constant 0 : i32
        %dma_wait3A_230 = arith.constant 0 : i32
        %dma_wait3A_231 = tpu.memref_slice %arg9[%rem3A_228, %dma_wait3A_229, %dma_wait3A_230] : memref<4x80x128xf32, #tpu.memory_space<vmem>> -> memref<1x80x128xf32, #tpu.memory_space<vmem>>
        %dma_wait3A_232 = tpu.memref_squeeze %dma_wait3A_231 : memref<1x80x128xf32, #tpu.memory_space<vmem>> -> memref<80x128xf32, #tpu.memory_space<vmem>>
        %dma_wait3A_233 = arith.constant 0 : i32
        %dma_wait3A_234 = tpu.memref_slice %arg8[%rem3A_224, %rem3A_226, %dma_wait3A_233] : memref<2x8x80xi32, #tpu.memory_space<vmem>> -> memref<1x1x80xi32, #tpu.memory_space<vmem>>
        %dma_wait3A_235 = tpu.memref_squeeze %dma_wait3A_234 : memref<1x1x80xi32, #tpu.memory_space<vmem>> -> memref<80xi32, #tpu.memory_space<vmem>>
        %dma_wait3A_236 = arith.constant 0 : i32
        %dma_wait3A_237 = arith.constant 0 : i32
        %dma_wait3A_238 = tpu.memref_slice %arg10[%dma_wait3A_236, %dma_wait3A_237] : memref<10240x128xf32, #tpu.memory_space<vmem_shared>> -> memref<10240x128xf32, #tpu.memory_space<vmem_shared>>
        tpu.wait_indirect_dma semaphore(%arg12 : memref<!tpu.dma_semaphore, #tpu.memory_space<semaphore_mem>>) src(%dma_wait3A_232 : memref<80x128xf32, #tpu.memory_space<vmem>>) dst(%dma_wait3A_238 : memref<10240x128xf32, #tpu.memory_space<vmem_shared>>)
      } else {
      }
      %dma_wait3A_191 = arith.constant 0 : i32
      %dma_wait3A_192 = arith.constant 0 : i32
      %dma_wait3A_193 = tpu.memref_slice %arg9[%rem3A_176, %dma_wait3A_191, %dma_wait3A_192] : memref<4x80x128xf32, #tpu.memory_space<vmem>> -> memref<1x80x128xf32, #tpu.memory_space<vmem>>
      %dma_wait3A_194 = tpu.memref_squeeze %dma_wait3A_193 : memref<1x80x128xf32, #tpu.memory_space<vmem>> -> memref<80x128xf32, #tpu.memory_space<vmem>>
      %dma_wait3A_195 = arith.constant 0 : i32
      %dma_wait3A_196 = tpu.memref_slice %arg7[%rem3A_174, %rem3A_172, %dma_wait3A_195] : memref<2x8x80xi32, #tpu.memory_space<vmem>> -> memref<1x1x80xi32, #tpu.memory_space<vmem>>
      %dma_wait3A_197 = tpu.memref_squeeze %dma_wait3A_196 : memref<1x1x80xi32, #tpu.memory_space<vmem>> -> memref<80xi32, #tpu.memory_space<vmem>>
      %dma_wait3A_198 = arith.constant 0 : i32
      %dma_wait3A_199 = arith.constant 0 : i32
      %dma_wait3A_200 = tpu.memref_slice %arg2[%dma_wait3A_198, %dma_wait3A_199] : memref<10240x128xf32, #tpu.memory_space<hbm>> -> memref<10240x128xf32, #tpu.memory_space<hbm>>
      %dma_wait3A_201 = tpu.memref_slice %arg11[%rem3A_178] : memref<3x!tpu.dma_semaphore, #tpu.memory_space<semaphore_mem>> -> memref<1x!tpu.dma_semaphore, #tpu.memory_space<semaphore_mem>>
      %dma_wait3A_202 = tpu.memref_squeeze %dma_wait3A_201 : memref<1x!tpu.dma_semaphore, #tpu.memory_space<semaphore_mem>> -> memref<!tpu.dma_semaphore, #tpu.memory_space<semaphore_mem>>
      tpu.wait_indirect_dma semaphore(%dma_wait3A_202 : memref<!tpu.dma_semaphore, #tpu.memory_space<semaphore_mem>>) src(%dma_wait3A_200 : memref<10240x128xf32, #tpu.memory_space<hbm>>) dst(%dma_wait3A_194 : memref<80x128xf32, #tpu.memory_space<vmem>>)
      %add3A_203 = arith.constant 3 : i32
      %add3A_204 = arith.addi %scan3A_170, %add3A_203 : i32
      %lt3A_205 = arith.constant 128 : i32
      %lt3A_206 = arith.cmpi slt, %add3A_204, %lt3A_205 : i32
      %convert_element_type3A_207 = arith.extui %lt3A_206 : i1 to i32
      %cond3A_208 = arith.constant 0 : i32
      %cond3A_209 = arith.cmpi ne, %convert_element_type3A_207, %cond3A_208 : i32
      scf.if %cond3A_209 {
        %add3A_220 = arith.constant 3 : i32
        %add3A_221 = arith.addi %scan3A_170, %add3A_220 : i32
        %div3A_222 = arith.constant 8 : i32
        %div3A_223 = arith.divsi %add3A_221, %div3A_222 : i32
        %rem3A_224 = arith.constant 8 : i32
        %rem3A_225 = arith.remsi %add3A_221, %rem3A_224 : i32
        %eq3A_226 = arith.constant 0 : i32
        %eq3A_227 = arith.cmpi eq, %rem3A_225, %eq3A_226 : i32
        %convert_element_type3A_228 = arith.extui %eq3A_227 : i1 to i32
        %cond3A_229 = arith.constant 0 : i32
        %cond3A_230 = arith.cmpi ne, %convert_element_type3A_228, %cond3A_229 : i32
        scf.if %cond3A_230 {
          %rem3A_249 = arith.constant 2 : i32
          %rem3A_250 = arith.remsi %div3A_223, %rem3A_249 : i32
          %mul3A_251 = arith.constant 8 : i32
          %mul3A_252 = arith.muli %div3A_223, %mul3A_251 : i32
          %mul3A_253 = arith.constant 8 : i32
          %mul3A_254 = arith.muli %div3A_223, %mul3A_253 : i32
          %dma_wait3A_255 = arith.constant 0 : i32
          %dma_wait3A_256 = arith.constant 0 : i32
          %dma_wait3A_257 = tpu.memref_slice %arg7[%rem3A_250, %dma_wait3A_255, %dma_wait3A_256] : memref<2x8x80xi32, #tpu.memory_space<vmem>> -> memref<1x8x80xi32, #tpu.memory_space<vmem>>
          %dma_wait3A_258 = tpu.memref_squeeze %dma_wait3A_257 : memref<1x8x80xi32, #tpu.memory_space<vmem>> -> memref<8x80xi32, #tpu.memory_space<vmem>>
          %dma_wait3A_259 = arith.constant 0 : i32
          %dma_wait3A_260 = tpu.memref_slice %arg3[%add3A, %mul3A_252, %dma_wait3A_259] : memref<32x128x80xi32, #tpu.memory_space<hbm>> -> memref<1x8x80xi32, #tpu.memory_space<hbm>>
          %dma_wait3A_261 = tpu.memref_squeeze %dma_wait3A_260 : memref<1x8x80xi32, #tpu.memory_space<hbm>> -> memref<8x80xi32, #tpu.memory_space<hbm>>
          %dma_wait3A_262 = arith.constant 0 : i32
          %dma_wait3A_263 = arith.constant 0 : i32
          %dma_wait3A_264 = tpu.memref_slice %arg7[%rem3A_250, %dma_wait3A_262, %dma_wait3A_263] : memref<2x8x80xi32, #tpu.memory_space<vmem>> -> memref<1x8x80xi32, #tpu.memory_space<vmem>>
          %dma_wait3A_265 = tpu.memref_squeeze %dma_wait3A_264 : memref<1x8x80xi32, #tpu.memory_space<vmem>> -> memref<8x80xi32, #tpu.memory_space<vmem>>
          %dma_wait3A_266 = arith.constant 0 : i32
          %dma_wait3A_267 = tpu.memref_slice %arg3[%add3A, %mul3A_252, %dma_wait3A_266] : memref<32x128x80xi32, #tpu.memory_space<hbm>> -> memref<1x8x80xi32, #tpu.memory_space<hbm>>
          %dma_wait3A_268 = tpu.memref_squeeze %dma_wait3A_267 : memref<1x8x80xi32, #tpu.memory_space<hbm>> -> memref<8x80xi32, #tpu.memory_space<hbm>>
          tpu.wait_dma2 semaphore(%arg13 : memref<!tpu.dma_semaphore, #tpu.memory_space<semaphore_mem>>) src(%dma_wait3A_268 : memref<8x80xi32, #tpu.memory_space<hbm>>) dst(%dma_wait3A_265 : memref<8x80xi32, #tpu.memory_space<vmem>>)
          %dma_wait3A_269 = arith.constant 0 : i32
          %dma_wait3A_270 = arith.constant 0 : i32
          %dma_wait3A_271 = tpu.memref_slice %arg8[%rem3A_250, %dma_wait3A_269, %dma_wait3A_270] : memref<2x8x80xi32, #tpu.memory_space<vmem>> -> memref<1x8x80xi32, #tpu.memory_space<vmem>>
          %dma_wait3A_272 = tpu.memref_squeeze %dma_wait3A_271 : memref<1x8x80xi32, #tpu.memory_space<vmem>> -> memref<8x80xi32, #tpu.memory_space<vmem>>
          %dma_wait3A_273 = arith.constant 0 : i32
          %dma_wait3A_274 = tpu.memref_slice %arg4[%add3A, %mul3A_254, %dma_wait3A_273] : memref<32x128x80xi32, #tpu.memory_space<hbm>> -> memref<1x8x80xi32, #tpu.memory_space<hbm>>
          %dma_wait3A_275 = tpu.memref_squeeze %dma_wait3A_274 : memref<1x8x80xi32, #tpu.memory_space<hbm>> -> memref<8x80xi32, #tpu.memory_space<hbm>>
          %dma_wait3A_276 = arith.constant 0 : i32
          %dma_wait3A_277 = arith.constant 0 : i32
          %dma_wait3A_278 = tpu.memref_slice %arg8[%rem3A_250, %dma_wait3A_276, %dma_wait3A_277] : memref<2x8x80xi32, #tpu.memory_space<vmem>> -> memref<1x8x80xi32, #tpu.memory_space<vmem>>
          %dma_wait3A_279 = tpu.memref_squeeze %dma_wait3A_278 : memref<1x8x80xi32, #tpu.memory_space<vmem>> -> memref<8x80xi32, #tpu.memory_space<vmem>>
          %dma_wait3A_280 = arith.constant 0 : i32
          %dma_wait3A_281 = tpu.memref_slice %arg4[%add3A, %mul3A_254, %dma_wait3A_280] : memref<32x128x80xi32, #tpu.memory_space<hbm>> -> memref<1x8x80xi32, #tpu.memory_space<hbm>>
          %dma_wait3A_282 = tpu.memref_squeeze %dma_wait3A_281 : memref<1x8x80xi32, #tpu.memory_space<hbm>> -> memref<8x80xi32, #tpu.memory_space<hbm>>
          tpu.wait_dma2 semaphore(%arg13 : memref<!tpu.dma_semaphore, #tpu.memory_space<semaphore_mem>>) src(%dma_wait3A_282 : memref<8x80xi32, #tpu.memory_space<hbm>>) dst(%dma_wait3A_279 : memref<8x80xi32, #tpu.memory_space<vmem>>)
        } else {
        }
        %rem3A_231 = arith.constant 2 : i32
        %rem3A_232 = arith.remsi %div3A_223, %rem3A_231 : i32
        %rem3A_233 = arith.constant 4 : i32
        %rem3A_234 = arith.remsi %add3A_221, %rem3A_233 : i32
        %rem3A_235 = arith.constant 3 : i32
        %rem3A_236 = arith.remsi %add3A_221, %rem3A_235 : i32
        %dma_start3A_237 = arith.constant 0 : i32
        %dma_start3A_238 = arith.constant 0 : i32
        %dma_start3A_239 = tpu.memref_slice %arg9[%rem3A_234, %dma_start3A_237, %dma_start3A_238] : memref<4x80x128xf32, #tpu.memory_space<vmem>> -> memref<1x80x128xf32, #tpu.memory_space<vmem>>
        %dma_start3A_240 = tpu.memref_squeeze %dma_start3A_239 : memref<1x80x128xf32, #tpu.memory_space<vmem>> -> memref<80x128xf32, #tpu.memory_space<vmem>>
        %dma_start3A_241 = arith.constant 0 : i32
        %dma_start3A_242 = tpu.memref_slice %arg7[%rem3A_232, %rem3A_225, %dma_start3A_241] : memref<2x8x80xi32, #tpu.memory_space<vmem>> -> memref<1x1x80xi32, #tpu.memory_space<vmem>>
        %dma_start3A_243 = tpu.memref_squeeze %dma_start3A_242 : memref<1x1x80xi32, #tpu.memory_space<vmem>> -> memref<80xi32, #tpu.memory_space<vmem>>
        %dma_start3A_244 = arith.constant 0 : i32
        %dma_start3A_245 = arith.constant 0 : i32
        %dma_start3A_246 = tpu.memref_slice %arg2[%dma_start3A_244, %dma_start3A_245] : memref<10240x128xf32, #tpu.memory_space<hbm>> -> memref<10240x128xf32, #tpu.memory_space<hbm>>
        %dma_start3A_247 = tpu.memref_slice %arg11[%rem3A_236] : memref<3x!tpu.dma_semaphore, #tpu.memory_space<semaphore_mem>> -> memref<1x!tpu.dma_semaphore, #tpu.memory_space<semaphore_mem>>
        %dma_start3A_248 = tpu.memref_squeeze %dma_start3A_247 : memref<1x!tpu.dma_semaphore, #tpu.memory_space<semaphore_mem>> -> memref<!tpu.dma_semaphore, #tpu.memory_space<semaphore_mem>>
        tpu.enqueue_indirect_dma source(%dma_start3A_246 : memref<10240x128xf32, #tpu.memory_space<hbm>>) target(%dma_start3A_240 : memref<80x128xf32, #tpu.memory_space<vmem>>) offsets(%dma_start3A_243 : memref<80xi32, #tpu.memory_space<vmem>>) semaphore(%dma_start3A_248 : memref<!tpu.dma_semaphore, #tpu.memory_space<semaphore_mem>>)
      } else {
      }
      %dma_start3A_210 = arith.constant 0 : i32
      %dma_start3A_211 = arith.constant 0 : i32
      %dma_start3A_212 = tpu.memref_slice %arg9[%rem3A_176, %dma_start3A_210, %dma_start3A_211] : memref<4x80x128xf32, #tpu.memory_space<vmem>> -> memref<1x80x128xf32, #tpu.memory_space<vmem>>
      %dma_start3A_213 = tpu.memref_squeeze %dma_start3A_212 : memref<1x80x128xf32, #tpu.memory_space<vmem>> -> memref<80x128xf32, #tpu.memory_space<vmem>>
      %dma_start3A_214 = arith.constant 0 : i32
      %dma_start3A_215 = tpu.memref_slice %arg8[%rem3A_174, %rem3A_172, %dma_start3A_214] : memref<2x8x80xi32, #tpu.memory_space<vmem>> -> memref<1x1x80xi32, #tpu.memory_space<vmem>>
      %dma_start3A_216 = tpu.memref_squeeze %dma_start3A_215 : memref<1x1x80xi32, #tpu.memory_space<vmem>> -> memref<80xi32, #tpu.memory_space<vmem>>
      %dma_start3A_217 = arith.constant 0 : i32
      %dma_start3A_218 = arith.constant 0 : i32
      %dma_start3A_219 = tpu.memref_slice %arg10[%dma_start3A_217, %dma_start3A_218] : memref<10240x128xf32, #tpu.memory_space<vmem_shared>> -> memref<10240x128xf32, #tpu.memory_space<vmem_shared>>
      tpu.enqueue_indirect_dma source(%dma_start3A_213 : memref<80x128xf32, #tpu.memory_space<vmem>>) target(%dma_start3A_219 : memref<10240x128xf32, #tpu.memory_space<vmem_shared>>) offsets(%dma_start3A_216 : memref<80xi32, #tpu.memory_space<vmem>>) semaphore(%arg12 : memref<!tpu.dma_semaphore, #tpu.memory_space<semaphore_mem>>) {add = true}
    }
    %scan3A_155 = arith.constant 128 : i32
    %dma_wait3A_156 = arith.constant 3 : i32
    %dma_wait3A_157 = arith.constant 1 : i32
    %dma_wait3A_158 = arith.constant 7 : i32
    %dma_wait3A_159 = arith.constant 0 : i32
    %dma_wait3A_160 = arith.constant 0 : i32
    %dma_wait3A_161 = tpu.memref_slice %arg9[%dma_wait3A_156, %dma_wait3A_159, %dma_wait3A_160] : memref<4x80x128xf32, #tpu.memory_space<vmem>> -> memref<1x80x128xf32, #tpu.memory_space<vmem>>
    %dma_wait3A_162 = tpu.memref_squeeze %dma_wait3A_161 : memref<1x80x128xf32, #tpu.memory_space<vmem>> -> memref<80x128xf32, #tpu.memory_space<vmem>>
    %dma_wait3A_163 = arith.constant 0 : i32
    %dma_wait3A_164 = tpu.memref_slice %arg8[%dma_wait3A_157, %dma_wait3A_158, %dma_wait3A_163] : memref<2x8x80xi32, #tpu.memory_space<vmem>> -> memref<1x1x80xi32, #tpu.memory_space<vmem>>
    %dma_wait3A_165 = tpu.memref_squeeze %dma_wait3A_164 : memref<1x1x80xi32, #tpu.memory_space<vmem>> -> memref<80xi32, #tpu.memory_space<vmem>>
    %dma_wait3A_166 = arith.constant 0 : i32
    %dma_wait3A_167 = arith.constant 0 : i32
    %dma_wait3A_168 = tpu.memref_slice %arg10[%dma_wait3A_166, %dma_wait3A_167] : memref<10240x128xf32, #tpu.memory_space<vmem_shared>> -> memref<10240x128xf32, #tpu.memory_space<vmem_shared>>
    tpu.wait_indirect_dma semaphore(%arg12 : memref<!tpu.dma_semaphore, #tpu.memory_space<semaphore_mem>>) src(%dma_wait3A_162 : memref<80x128xf32, #tpu.memory_space<vmem>>) dst(%dma_wait3A_168 : memref<10240x128xf32, #tpu.memory_space<vmem_shared>>)
    %barrier3A_169 = arith.constant 0 : index
    tpu.barrier barrier_id(%barrier3A_169)
    "tpu.region"() ({
      %run_scoped3A = tpu.sem_alloc : memref<!tpu.dma_semaphore, #tpu.memory_space<semaphore_mem>>
      %dma_start3A_170 = arith.constant 0 : i32
      %dma_start3A_171 = tpu.memref_slice %arg6[%arg0, %mul3A_2, %dma_start3A_170] : memref<2x10240x128xf32, #tpu.memory_space<hbm>> -> memref<1x640x128xf32, #tpu.memory_space<hbm>>
      %dma_start3A_172 = tpu.memref_squeeze %dma_start3A_171 : memref<1x640x128xf32, #tpu.memory_space<hbm>> -> memref<640x128xf32, #tpu.memory_space<hbm>>
      %dma_start3A_173 = arith.constant 0 : i32
      %dma_start3A_174 = tpu.memref_slice %arg10[%mul3A_2, %dma_start3A_173] : memref<10240x128xf32, #tpu.memory_space<vmem_shared>> -> memref<640x128xf32, #tpu.memory_space<vmem_shared>>
      tpu.enqueue_dma source(%dma_start3A_174 : memref<640x128xf32, #tpu.memory_space<vmem_shared>>) target(%dma_start3A_172 : memref<640x128xf32, #tpu.memory_space<hbm>>) target_semaphore(%run_scoped3A : memref<!tpu.dma_semaphore, #tpu.memory_space<semaphore_mem>>)
      %dma_wait3A_175 = arith.constant 0 : i32
      %dma_wait3A_176 = tpu.memref_slice %arg6[%arg0, %mul3A_2, %dma_wait3A_175] : memref<2x10240x128xf32, #tpu.memory_space<hbm>> -> memref<1x640x128xf32, #tpu.memory_space<hbm>>
      %dma_wait3A_177 = tpu.memref_squeeze %dma_wait3A_176 : memref<1x640x128xf32, #tpu.memory_space<hbm>> -> memref<640x128xf32, #tpu.memory_space<hbm>>
      %dma_wait3A_178 = arith.constant 0 : i32
      %dma_wait3A_179 = tpu.memref_slice %arg10[%mul3A_2, %dma_wait3A_178] : memref<10240x128xf32, #tpu.memory_space<vmem_shared>> -> memref<640x128xf32, #tpu.memory_space<vmem_shared>>
      tpu.wait_dma2 semaphore(%run_scoped3A : memref<!tpu.dma_semaphore, #tpu.memory_space<semaphore_mem>>) src(%dma_wait3A_179 : memref<640x128xf32, #tpu.memory_space<vmem_shared>>) dst(%dma_wait3A_177 : memref<640x128xf32, #tpu.memory_space<hbm>>)
      tpu.yield
    }) : () -> ()
    return
  }
}

module attributes {stable_mosaic.version = 14 : i64} {
  func.func @_stage_a_body(%arg0: i32, %arg1: memref<5120x128xf32, #tpu.memory_space<vmem>>, %arg2: memref<128x128xf32, #tpu.memory_space<vmem>>, %arg3: memref<32x5120xf32, #tpu.memory_space<vmem>>, %arg4: memref<5120x128xf32, #tpu.memory_space<vmem>>) attributes {dimension_semantics = [#tpu.dimension_semantics<arbitrary>], iteration_bounds = array<i64: 2>, scalar_prefetch = 0 : i64, scratch_operands = 0 : i64, tpu.core_type = #tpu.core_type<tc>, window_params = [{transform_indices = @transform_0, window_bounds = array<i64: 5120, 128>}, {pipeline_mode = #tpu.pipeline_mode<synchronous>, transform_indices = @transform_1, window_bounds = array<i64: 128, 128>}, {transform_indices = @transform_2, window_bounds = array<i64: 32, 5120>}, {transform_indices = @transform_3, window_bounds = array<i64: 5120, 128>}]} {
    %broadcast_in_dim3A = arith.constant 1.000000e+00 : f32
    %broadcast_in_dim3A_0 = vector.broadcast %broadcast_in_dim3A : f32 to vector<32x1xf32>
    %get3A = arith.constant 0 : index
    %get3A_1 = arith.constant 0 : index
    %get3A_2 = vector.load %arg3[%get3A, %get3A_1] : memref<32x5120xf32, #tpu.memory_space<vmem>>, vector<32x5120xf32>
    %dot_general3A = arith.constant dense<0.000000e+00> : vector<5120x1xf32>
    %dot_general3A_3 = tpu.matmul %get3A_2, %broadcast_in_dim3A_0, %dot_general3A {dimension_numbers = #tpu.dot_dimension_numbers<[0], [0], [1], [1], [0, 1, 1, 1], [], []>, transpose_lhs_hint = false} : vector<32x5120xf32>, vector<32x1xf32>, vector<5120x1xf32> -> vector<5120x1xf32>
    %add3A = arith.constant 1.000000e+00 : f32
    %add3A_4 = vector.broadcast %add3A : f32 to vector<5120x1xf32>
    %add3A_5 = arith.addf %dot_general3A_3, %add3A_4 : vector<5120x1xf32>
    %rsqrt3A = math.rsqrt %add3A_5 : vector<5120x1xf32>
    %get3A_6 = arith.constant 0 : index
    %get3A_7 = arith.constant 0 : index
    %get3A_8 = vector.load %arg1[%get3A_6, %get3A_7] : memref<5120x128xf32, #tpu.memory_space<vmem>>, vector<5120x128xf32>
    %get3A_9 = arith.constant 0 : index
    %get3A_10 = arith.constant 0 : index
    %get3A_11 = vector.load %arg2[%get3A_9, %get3A_10] : memref<128x128xf32, #tpu.memory_space<vmem>>, vector<128x128xf32>
    %dot_general3A_12 = arith.constant dense<0.000000e+00> : vector<5120x128xf32>
    %dot_general3A_13 = tpu.matmul %get3A_8, %get3A_11, %dot_general3A_12 {dimension_numbers = #tpu.dot_dimension_numbers<[1], [0], [0], [1], [0, 0, 1, 1], [], []>, transpose_lhs_hint = false} : vector<5120x128xf32>, vector<128x128xf32>, vector<5120x128xf32> -> vector<5120x128xf32>
    %mul3A = vector.broadcast %rsqrt3A : vector<5120x1xf32> to vector<5120x128xf32>
    %mul3A_14 = arith.mulf %dot_general3A_13, %mul3A : vector<5120x128xf32>
    %swap3A = arith.constant 0 : index
    %swap3A_15 = arith.constant 0 : index
    %swap3A_16 = vector.load %arg4[%swap3A, %swap3A_15] : memref<5120x128xf32, #tpu.memory_space<vmem>>, vector<5120x128xf32>
    tpu.vector_store %arg4[%swap3A, %swap3A_15], %mul3A_14 {strides = array<i32>} : memref<5120x128xf32, #tpu.memory_space<vmem>>, vector<5120x128xf32>,
    return
  }
  func.func @transform_0(%arg0: i32) -> (i32, i32) {
    %c0_i32 = arith.constant 0 : i32
    %c0_i32_0 = arith.constant 0 : i32
    return %arg0, %c0_i32 : i32, i32
  }
  func.func @transform_1(%arg0: i32) -> (i32, i32) {
    %c0_i32 = arith.constant 0 : i32
    %c0_i32_0 = arith.constant 0 : i32
    %c0_i32_1 = arith.constant 0 : i32
    return %c0_i32, %c0_i32_0 : i32, i32
  }
  func.func @transform_2(%arg0: i32) -> (i32, i32) {
    %c0_i32 = arith.constant 0 : i32
    %c0_i32_0 = arith.constant 0 : i32
    return %c0_i32, %arg0 : i32, i32
  }
  func.func @transform_3(%arg0: i32) -> (i32, i32) {
    %c0_i32 = arith.constant 0 : i32
    %c0_i32_0 = arith.constant 0 : i32
    return %arg0, %c0_i32 : i32, i32
  }
}

module attributes {stable_mosaic.version = 14 : i64} {
  func.func @_stage_b_body(%arg0: i32, %arg1: memref<2x5120x128xf32, #tpu.memory_space<vmem>>, %arg2: memref<5120x128xf32, #tpu.memory_space<vmem>>, %arg3: memref<32x5120xf32, #tpu.memory_space<vmem>>, %arg4: memref<1x128xf32, #tpu.memory_space<vmem>>, %arg5: memref<128x128xf32, #tpu.memory_space<vmem>>, %arg6: memref<5120x128xf32, #tpu.memory_space<vmem>>, %arg7: memref<5120x1xf32, #tpu.memory_space<vmem>>) attributes {dimension_semantics = [#tpu.dimension_semantics<arbitrary>], iteration_bounds = array<i64: 2>, scalar_prefetch = 0 : i64, scratch_operands = 0 : i64, tpu.core_type = #tpu.core_type<tc>, window_params = [{transform_indices = @transform_0, window_bounds = array<i64: 2, 5120, 128>}, {transform_indices = @transform_1, window_bounds = array<i64: 5120, 128>}, {transform_indices = @transform_2, window_bounds = array<i64: 32, 5120>}, {pipeline_mode = #tpu.pipeline_mode<synchronous>, transform_indices = @transform_3, window_bounds = array<i64: 1, 128>}, {pipeline_mode = #tpu.pipeline_mode<synchronous>, transform_indices = @transform_4, window_bounds = array<i64: 128, 128>}, {transform_indices = @transform_5, window_bounds = array<i64: 5120, 128>}, {transform_indices = @transform_6, window_bounds = array<i64: 5120, 1>}]} {
    %broadcast_in_dim3A = arith.constant 1.000000e+00 : f32
    %broadcast_in_dim3A_0 = vector.broadcast %broadcast_in_dim3A : f32 to vector<32x1xf32>
    %get3A = arith.constant 0 : index
    %get3A_1 = arith.constant 0 : index
    %get3A_2 = vector.load %arg3[%get3A, %get3A_1] : memref<32x5120xf32, #tpu.memory_space<vmem>>, vector<32x5120xf32>
    %dot_general3A = arith.constant dense<0.000000e+00> : vector<5120x1xf32>
    %dot_general3A_3 = tpu.matmul %get3A_2, %broadcast_in_dim3A_0, %dot_general3A {dimension_numbers = #tpu.dot_dimension_numbers<[0], [0], [1], [1], [0, 1, 1, 1], [], []>, transpose_lhs_hint = false} : vector<32x5120xf32>, vector<32x1xf32>, vector<5120x1xf32> -> vector<5120x1xf32>
    %add3A = arith.constant 1.000000e+00 : f32
    %add3A_4 = vector.broadcast %add3A : f32 to vector<5120x1xf32>
    %add3A_5 = arith.addf %dot_general3A_3, %add3A_4 : vector<5120x1xf32>
    %rsqrt3A = math.rsqrt %add3A_5 : vector<5120x1xf32>
    %swap3A = arith.constant 0 : index
    %swap3A_6 = arith.constant 0 : index
    %swap3A_7 = vector.load %arg7[%swap3A, %swap3A_6] : memref<5120x1xf32, #tpu.memory_space<vmem>>, vector<5120x1xf32>
    tpu.vector_store %arg7[%swap3A, %swap3A_6], %rsqrt3A {strides = array<i32>} : memref<5120x1xf32, #tpu.memory_space<vmem>>, vector<5120x1xf32>,
    %get3A_8 = arith.constant 0 : index
    %get3A_9 = arith.constant 0 : index
    %get3A_10 = arith.constant 0 : index
    %get3A_11 = vector.load %arg1[%get3A_8, %get3A_9, %get3A_10] : memref<2x5120x128xf32, #tpu.memory_space<vmem>>, vector<1x5120x128xf32>
    %get3A_12 = vector.shape_cast %get3A_11 : vector<1x5120x128xf32> to vector<5120x128xf32>
    %get3A_13 = arith.constant 1 : index
    %get3A_14 = arith.constant 0 : index
    %get3A_15 = arith.constant 0 : index
    %get3A_16 = vector.load %arg1[%get3A_13, %get3A_14, %get3A_15] : memref<2x5120x128xf32, #tpu.memory_space<vmem>>, vector<1x5120x128xf32>
    %get3A_17 = vector.shape_cast %get3A_16 : vector<1x5120x128xf32> to vector<5120x128xf32>
    %add3A_18 = arith.addf %get3A_12, %get3A_17 : vector<5120x128xf32>
    %get3A_19 = arith.constant 0 : index
    %get3A_20 = arith.constant 0 : index
    %get3A_21 = vector.load %arg2[%get3A_19, %get3A_20] : memref<5120x128xf32, #tpu.memory_space<vmem>>, vector<5120x128xf32>
    %add3A_22 = arith.addf %add3A_18, %get3A_21 : vector<5120x128xf32>
    %mul3A = vector.broadcast %rsqrt3A : vector<5120x1xf32> to vector<5120x128xf32>
    %mul3A_23 = arith.mulf %mul3A, %add3A_22 : vector<5120x128xf32>
    %get3A_24 = arith.constant 0 : index
    %get3A_25 = arith.constant 0 : index
    %get3A_26 = vector.load %arg4[%get3A_24, %get3A_25] : memref<1x128xf32, #tpu.memory_space<vmem>>, vector<1x128xf32>
    %add3A_27 = vector.broadcast %get3A_26 : vector<1x128xf32> to vector<5120x128xf32>
    %add3A_28 = arith.addf %mul3A_23, %add3A_27 : vector<5120x128xf32>
    %max3A = arith.constant 0.000000e+00 : f32
    %max3A_29 = vector.broadcast %max3A : f32 to vector<5120x128xf32>
    %max3A_30 = arith.maximumf %add3A_28, %max3A_29 : vector<5120x128xf32>
    %get3A_31 = arith.constant 0 : index
    %get3A_32 = arith.constant 0 : index
    %get3A_33 = vector.load %arg5[%get3A_31, %get3A_32] : memref<128x128xf32, #tpu.memory_space<vmem>>, vector<128x128xf32>
    %dot_general3A_34 = arith.constant dense<0.000000e+00> : vector<5120x128xf32>
    %dot_general3A_35 = tpu.matmul %max3A_30, %get3A_33, %dot_general3A_34 {dimension_numbers = #tpu.dot_dimension_numbers<[1], [0], [0], [1], [0, 0, 1, 1], [], []>, transpose_lhs_hint = false} : vector<5120x128xf32>, vector<128x128xf32>, vector<5120x128xf32> -> vector<5120x128xf32>
    %mul3A_36 = vector.broadcast %rsqrt3A : vector<5120x1xf32> to vector<5120x128xf32>
    %mul3A_37 = arith.mulf %dot_general3A_35, %mul3A_36 : vector<5120x128xf32>
    %swap3A_38 = arith.constant 0 : index
    %swap3A_39 = arith.constant 0 : index
    %swap3A_40 = vector.load %arg6[%swap3A_38, %swap3A_39] : memref<5120x128xf32, #tpu.memory_space<vmem>>, vector<5120x128xf32>
    tpu.vector_store %arg6[%swap3A_38, %swap3A_39], %mul3A_37 {strides = array<i32>} : memref<5120x128xf32, #tpu.memory_space<vmem>>, vector<5120x128xf32>,
    return
  }
  func.func @transform_0(%arg0: i32) -> (i32, i32, i32) {
    %c0_i32 = arith.constant 0 : i32
    %c0_i32_0 = arith.constant 0 : i32
    %c0_i32_1 = arith.constant 0 : i32
    return %c0_i32, %arg0, %c0_i32_0 : i32, i32, i32
  }
  func.func @transform_1(%arg0: i32) -> (i32, i32) {
    %c0_i32 = arith.constant 0 : i32
    %c0_i32_0 = arith.constant 0 : i32
    return %arg0, %c0_i32 : i32, i32
  }
  func.func @transform_2(%arg0: i32) -> (i32, i32) {
    %c0_i32 = arith.constant 0 : i32
    %c0_i32_0 = arith.constant 0 : i32
    return %c0_i32, %arg0 : i32, i32
  }
  func.func @transform_3(%arg0: i32) -> (i32, i32) {
    %c0_i32 = arith.constant 0 : i32
    %c0_i32_0 = arith.constant 0 : i32
    %c0_i32_1 = arith.constant 0 : i32
    return %c0_i32, %c0_i32_0 : i32, i32
  }
  func.func @transform_4(%arg0: i32) -> (i32, i32) {
    %c0_i32 = arith.constant 0 : i32
    %c0_i32_0 = arith.constant 0 : i32
    %c0_i32_1 = arith.constant 0 : i32
    return %c0_i32, %c0_i32_0 : i32, i32
  }
  func.func @transform_5(%arg0: i32) -> (i32, i32) {
    %c0_i32 = arith.constant 0 : i32
    %c0_i32_0 = arith.constant 0 : i32
    return %arg0, %c0_i32 : i32, i32
  }
  func.func @transform_6(%arg0: i32) -> (i32, i32) {
    %c0_i32 = arith.constant 0 : i32
    %c0_i32_0 = arith.constant 0 : i32
    return %arg0, %c0_i32 : i32, i32
  }
}

module attributes {stable_mosaic.version = 14 : i64} {
  func.func @_stage_c_body(%arg0: i32, %arg1: memref<2x5000x128xf32, #tpu.memory_space<vmem>>, %arg2: memref<5000x128xf32, #tpu.memory_space<vmem>>, %arg3: memref<5000x1xf32, #tpu.memory_space<vmem>>, %arg4: memref<1x128xf32, #tpu.memory_space<vmem>>, %arg5: memref<128x40xf32, #tpu.memory_space<vmem>>, %arg6: memref<1x40xf32, #tpu.memory_space<vmem>>, %arg7: memref<5000x40xf32, #tpu.memory_space<vmem>>) attributes {dimension_semantics = [#tpu.dimension_semantics<arbitrary>], iteration_bounds = array<i64: 2>, scalar_prefetch = 0 : i64, scratch_operands = 0 : i64, tpu.core_type = #tpu.core_type<tc>, window_params = [{transform_indices = @transform_0, window_bounds = array<i64: 2, 5000, 128>}, {transform_indices = @transform_1, window_bounds = array<i64: 5000, 128>}, {transform_indices = @transform_2, window_bounds = array<i64: 5000, 1>}, {pipeline_mode = #tpu.pipeline_mode<synchronous>, transform_indices = @transform_3, window_bounds = array<i64: 1, 128>}, {pipeline_mode = #tpu.pipeline_mode<synchronous>, transform_indices = @transform_4, window_bounds = array<i64: 128, 40>}, {pipeline_mode = #tpu.pipeline_mode<synchronous>, transform_indices = @transform_5, window_bounds = array<i64: 1, 40>}, {transform_indices = @transform_6, window_bounds = array<i64: 5000, 40>}]} {
    %get3A = arith.constant 0 : index
    %get3A_0 = arith.constant 0 : index
    %get3A_1 = vector.load %arg3[%get3A, %get3A_0] : memref<5000x1xf32, #tpu.memory_space<vmem>>, vector<5000x1xf32>
    %get3A_2 = arith.constant 0 : index
    %get3A_3 = arith.constant 0 : index
    %get3A_4 = arith.constant 0 : index
    %get3A_5 = vector.load %arg1[%get3A_2, %get3A_3, %get3A_4] : memref<2x5000x128xf32, #tpu.memory_space<vmem>>, vector<1x5000x128xf32>
    %get3A_6 = vector.shape_cast %get3A_5 : vector<1x5000x128xf32> to vector<5000x128xf32>
    %get3A_7 = arith.constant 1 : index
    %get3A_8 = arith.constant 0 : index
    %get3A_9 = arith.constant 0 : index
    %get3A_10 = vector.load %arg1[%get3A_7, %get3A_8, %get3A_9] : memref<2x5000x128xf32, #tpu.memory_space<vmem>>, vector<1x5000x128xf32>
    %get3A_11 = vector.shape_cast %get3A_10 : vector<1x5000x128xf32> to vector<5000x128xf32>
    %add3A = arith.addf %get3A_6, %get3A_11 : vector<5000x128xf32>
    %get3A_12 = arith.constant 0 : index
    %get3A_13 = arith.constant 0 : index
    %get3A_14 = vector.load %arg2[%get3A_12, %get3A_13] : memref<5000x128xf32, #tpu.memory_space<vmem>>, vector<5000x128xf32>
    %add3A_15 = arith.addf %add3A, %get3A_14 : vector<5000x128xf32>
    %mul3A = vector.broadcast %get3A_1 : vector<5000x1xf32> to vector<5000x128xf32>
    %mul3A_16 = arith.mulf %mul3A, %add3A_15 : vector<5000x128xf32>
    %get3A_17 = arith.constant 0 : index
    %get3A_18 = arith.constant 0 : index
    %get3A_19 = vector.load %arg4[%get3A_17, %get3A_18] : memref<1x128xf32, #tpu.memory_space<vmem>>, vector<1x128xf32>
    %add3A_20 = vector.broadcast %get3A_19 : vector<1x128xf32> to vector<5000x128xf32>
    %add3A_21 = arith.addf %mul3A_16, %add3A_20 : vector<5000x128xf32>
    %get3A_22 = arith.constant 0 : index
    %get3A_23 = arith.constant 0 : index
    %get3A_24 = vector.load %arg5[%get3A_22, %get3A_23] : memref<128x40xf32, #tpu.memory_space<vmem>>, vector<128x40xf32>
    %dot_general3A = arith.constant dense<0.000000e+00> : vector<5000x40xf32>
    %dot_general3A_25 = tpu.matmul %add3A_21, %get3A_24, %dot_general3A {dimension_numbers = #tpu.dot_dimension_numbers<[1], [0], [0], [1], [0, 0, 1, 1], [], []>, transpose_lhs_hint = false} : vector<5000x128xf32>, vector<128x40xf32>, vector<5000x40xf32> -> vector<5000x40xf32>
    %get3A_26 = arith.constant 0 : index
    %get3A_27 = arith.constant 0 : index
    %get3A_28 = vector.load %arg6[%get3A_26, %get3A_27] : memref<1x40xf32, #tpu.memory_space<vmem>>, vector<1x40xf32>
    %add3A_29 = vector.broadcast %get3A_28 : vector<1x40xf32> to vector<5000x40xf32>
    %add3A_30 = arith.addf %dot_general3A_25, %add3A_29 : vector<5000x40xf32>
    %swap3A = arith.constant 0 : index
    %swap3A_31 = arith.constant 0 : index
    %swap3A_32 = vector.load %arg7[%swap3A, %swap3A_31] : memref<5000x40xf32, #tpu.memory_space<vmem>>, vector<5000x40xf32>
    tpu.vector_store %arg7[%swap3A, %swap3A_31], %add3A_30 {strides = array<i32>} : memref<5000x40xf32, #tpu.memory_space<vmem>>, vector<5000x40xf32>,
    return
  }
  func.func @transform_0(%arg0: i32) -> (i32, i32, i32) {
    %c0_i32 = arith.constant 0 : i32
    %c0_i32_0 = arith.constant 0 : i32
    %c0_i32_1 = arith.constant 0 : i32
    return %c0_i32, %arg0, %c0_i32_0 : i32, i32, i32
  }
  func.func @transform_1(%arg0: i32) -> (i32, i32) {
    %c0_i32 = arith.constant 0 : i32
    %c0_i32_0 = arith.constant 0 : i32
    return %arg0, %c0_i32 : i32, i32
  }
  func.func @transform_2(%arg0: i32) -> (i32, i32) {
    %c0_i32 = arith.constant 0 : i32
    %c0_i32_0 = arith.constant 0 : i32
    return %arg0, %c0_i32 : i32, i32
  }
  func.func @transform_3(%arg0: i32) -> (i32, i32) {
    %c0_i32 = arith.constant 0 : i32
    %c0_i32_0 = arith.constant 0 : i32
    %c0_i32_1 = arith.constant 0 : i32
    return %c0_i32, %c0_i32_0 : i32, i32
  }
  func.func @transform_4(%arg0: i32) -> (i32, i32) {
    %c0_i32 = arith.constant 0 : i32
    %c0_i32_0 = arith.constant 0 : i32
    %c0_i32_1 = arith.constant 0 : i32
    return %c0_i32, %c0_i32_0 : i32, i32
  }
  func.func @transform_5(%arg0: i32) -> (i32, i32) {
    %c0_i32 = arith.constant 0 : i32
    %c0_i32_0 = arith.constant 0 : i32
    %c0_i32_1 = arith.constant 0 : i32
    return %c0_i32, %c0_i32_0 : i32, i32
  }
  func.func @transform_6(%arg0: i32) -> (i32, i32) {
    %c0_i32 = arith.constant 0 : i32
    %c0_i32_0 = arith.constant 0 : i32
    return %arg0, %c0_i32 : i32, i32
  }
}

</mosaic_0001>

<sc_bundles>
// kernel: kernel.11.cloned.1.call-start
scs
__scs_entry_jumppad:
0x0: {  	(pc) =	sbr.rel $0x88, $3  }
0x1: {  	(tag) =	ssettag $0x0;
	lr =	simm.s32 $0x1  }
0x2: {  	[smem:$0x3F99] =	sst lr;
	_ =	strace $0xD0000000  }
0x3: {  	_ = 	snop  }
0x4: {  	_ = 	snop  }
0x5: {  	_ = 	snop  }
0x6: {  	_ = 	snop  }
0x7: {  	_ = 	snop  }
__scs_overlays_trampoline_lowered:
0x8: {  	[smem:$0x3FA8] =	sst s0  }
0x9: {  	[smem:$0x3FA9] =	sst s1  }
0xa: {  	[smem:$0x3FAA] =	sst s2  }
0xb: {  	[smem:$0x3FAB] =	sst s3  }
0xc: {  	[smem:$0x3FAC] =	sst s4  }
0xd: {  	[smem:$0x3FAD] =	sst s5  }
0xe: {  	[smem:$0x3FAE] =	sst s6  }
0xf: {  	[smem:$0x3FAF] =	sst s7  }
0x10: {  	[smem:$0x3FB0] =	sst s8  }
0x11: {  	[smem:$0x3FB1] =	sst s9;
	s0 =	simm.s32 @!p0 $0x0  }
0x12: {  	s1 =	sld [smem:$0x3F97];
	s0 =	simm.s32 @p0 $0x1  }
0x13: {  	[smem:$0x3FB2] =	sst s0;
	s0 =	simm.s32 @!p1 $0x0  }
0x14: {  	s2 =	sld [smem:$0x3F96];
	s0 =	simm.s32 @p1 $0x1  }
0x15: {  	[smem:$0x3FB3] =	sst s0;
	s0 =	simm.s32 @!p2 $0x0  }
0x16: {  	s3 =	sld [smem:$0x3FDB];
	s0 =	simm.s32 @p2 $0x1  }
0x17: {  	s4 =	simm.s32 $0x1BF5;
	[smem:$0x3FB5] =	sst s0  }
0x18: {  	s0 =	sld [smem:$0x3F98];
	_ =	swait.ge [sflag:s4], $0x0  }
0x19: {  	s7 =	sld [smem:$0x3F99]  }
0x1a: {  	s8 =	sadd.s32 $0xFFFFE003, lr  }
0x1b: {  	s9 =	sadd.s32 $0xFFFFFEF7, lr;
	s5 =	simm.s32 $0xFFFFFFFF;
	p2 =	slt.u32 s8, $0xFFFFF086  }
0x1c: {  	p1 =	slt.u32 s9, $0xF7A;
	s5 =	simm.s32 @!p2 $0x0  }
0x1d: {  	s5 =	simm.s32 @p1 $0x1;
	p0 =	seq.s32 s7, s2  }
0x1e: {  	s7 =	smul.u32 @!p0 $0xF7A, s2;
	p2 =	seq.s32 @!p0 s5, $0x0  }
0x1f: {  	s9 =	smul.u32 $0xF7A, s1;
	s8 =	simm.s32 @!p0 $0x1BF5;
	p2 =	por !p2, p0  }
0x20: {  	[sflag:s8] =	ssyncset.s32 @!p0 $0xFFFFF086;
	s6 =	sadd.s32 @!p0 s3, s7;
	s7 =	simm.s32 @!p0 $0x108  }
0x21: {  	s3 =	sadd.s32 s3, s9;
	s6 =	sadd.s32 @!p0 $0x88, s6;
	s7 =	simm.s32 @p2 $0x1082  }
0x22: {  	[simem:s7], [sflag:s8] =	dma.local @!p0 [hbm:s6], $0xF7A  }
0x23: {  	s9 =	sor.u32 $0xD0000000, s2;
	s6 =	simm.s32 $0x108;
	_ =	swait.ge @!p0 [sflag:s8], $0x0  }
0x24: {  	s3 =	sadd.s32 $0x88, s3;
	s6 =	simm.s32 @!p1 $0x1082;
	[sflag:s4] =	ssyncset.s32 $0xFFFFF086  }
0x25: {  	[simem:s6], [sflag:s4] =	dma.local [hbm:s3], $0xF7A  }
0x26: {  	[smem:$0x3F99] =	sst s1;
	(tag) =	ssettag s2;
	_ =	strace s9  }
0x27: {  	s1 =	sld [smem:$0x3FA9]  }
0x28: {  	s2 =	sld [smem:$0x3FAA]  }
0x29: {  	s4 =	sld [smem:$0x3FAC]  }
0x2a: {  	p0 =	seq.s32 s5, $0x0;
	s5 =	sld [smem:$0x3FAD]  }
0x2b: {  	s6 =	sld [smem:$0x3FAE]  }
0x2c: {  	s7 =	sld [smem:$0x3FAF]  }
0x2d: {  	s3 =	simm.s32 $0x108;
	s8 =	sld [smem:$0x3FB0]  }
0x2e: {  	s3 =	simm.s32 @!p0 $0x1082;
	s9 =	sld [smem:$0x3FB1]  }
0x2f: {  	lr =	sadd.s32 s0, s3;
	s0 =	sld [smem:$0x3FA8]  }
0x30: {  	s3 =	sld [smem:$0x3FAB]  }
0x31: {  	[smem:$0x3FB4] =	sst s10  }
0x32: {  	s10 =	sld [smem:$0x3FB2];
	_ =	sdelay $0x3  }
0x33: {  	p0 =	seq.s32 s10, $0x1;
	s10 =	sld [smem:$0x3FB4];
	_ =	sdelay $0x3  }
0x34: {  	[smem:$0x3FB4] =	sst s10  }
0x35: {  	s10 =	sld [smem:$0x3FB3];
	_ =	sdelay $0x3  }
0x36: {  	p1 =	seq.s32 s10, $0x1;
	s10 =	sld [smem:$0x3FB4];
	_ =	sdelay $0x3  }
0x37: {  	[smem:$0x3FB4] =	sst s10  }
0x38: {  	s10 =	sld [smem:$0x3FB5]  }
0x39: {  	_ = 	snop;
	(pc) =	sbr.ind lr, $3  }
0x3a: {  	_ = 	snop  }
0x3b: {  	_ = 	snop  }
0x3c: {  	p2 =	seq.s32 s10, $0x1;
	s10 =	sld [smem:$0x3FB4]  }
0x3d: {  	_ =	shalt  }
0x3e: {  	_ =	shalt  }
0x3f: {  	_ =	shalt  }
0x40: {  	_ =	shalt  }
0x41: {  	_ =	shalt  }
0x42: {  	_ =	shalt  }
0x43: {  	_ =	shalt  }
0x44: {  	_ =	shalt  }
0x45: {  	_ =	shalt  }
0x46: {  	_ =	shalt  }
0x47: {  	_ =	shalt  }
0x48: {  	_ =	shalt  }
0x49: {  	_ =	shalt  }
0x4a: {  	_ =	shalt  }
0x4b: {  	_ =	shalt  }
0x4c: {  	_ =	shalt  }
0x4d: {  	_ =	shalt  }
0x4e: {  	_ =	shalt  }
0x4f: {  	_ =	shalt  }
0x50: {  	_ =	shalt  }
0x51: {  	_ =	shalt  }
0x52: {  	_ =	shalt  }
0x53: {  	_ =	shalt  }
0x54: {  	_ =	shalt  }
0x55: {  	_ =	shalt  }
0x56: {  	_ =	shalt  }
0x57: {  	_ =	shalt  }
0x58: {  	_ =	shalt  }
0x59: {  	_ =	shalt  }
0x5a: {  	_ =	shalt  }
0x5b: {  	_ =	shalt  }
0x5c: {  	_ =	shalt  }
0x5d: {  	_ =	shalt  }
0x5e: {  	_ =	shalt  }
0x5f: {  	_ =	shalt  }
0x60: {  	_ =	shalt  }
0x61: {  	_ =	shalt  }
0x62: {  	_ =	shalt  }
0x63: {  	_ =	shalt  }
0x64: {  	_ =	shalt  }
0x65: {  	_ =	shalt  }
0x66: {  	_ =	shalt  }
0x67: {  	_ =	shalt  }
0x68: {  	_ =	shalt  }
0x69: {  	_ =	shalt  }
0x6a: {  	_ =	shalt  }
0x6b: {  	_ =	shalt  }
0x6c: {  	_ =	shalt  }
0x6d: {  	_ =	shalt  }
0x6e: {  	_ =	shalt  }
0x6f: {  	_ =	shalt  }
0x70: {  	_ =	shalt  }
0x71: {  	_ =	shalt  }
0x72: {  	_ =	shalt  }
0x73: {  	_ =	shalt  }
0x74: {  	_ =	shalt  }
0x75: {  	_ =	shalt  }
0x76: {  	_ =	shalt  }
0x77: {  	_ =	shalt  }
0x78: {  	_ =	shalt  }
0x79: {  	_ =	shalt  }
0x7a: {  	_ =	shalt  }
0x7b: {  	_ =	shalt  }
0x7c: {  	_ =	shalt  }
0x7d: {  	_ =	shalt  }
0x7e: {  	_ =	shalt  }
0x7f: {  	_ =	shalt  }
0x80: {  	_ =	shalt  }
0x81: {  	_ =	shalt  }
0x82: {  	_ =	shalt  }
0x83: {  	_ =	shalt  }
0x84: {  	_ =	shalt  }
0x85: {  	_ =	shalt  }
0x86: {  	_ =	shalt  }
0x87: {  	_ =	shalt  }
.Lfunc_end0:
.L_simem_size_0:
called_computation.1_lowered:
.L_overlay_start_0:
0x88: {  	s2 =	sld [smem:$0x3FD9]  }
0x89: {  	s3 =	sld [smem:$0x3FFE];
	_ =	sdelay $0x1  }
0x8a: {  	s1 =	srdreg.scid  }
0x8b: {  	s0 =	sand.u32 $0x1, s1  }
0x8c: {  	s16 =	sshll.u32 s0, $0xA;
	s2 =	sadd.s32 s3, s2  }
0x8d: {  	s2 =	sadd.s32 s2, s16  }
0x8e: {  	[smem:$0x3FC0] =	sst s2  }
0x8f: {  	_ = 	snop  }
0x90: {  	(tm) =	ssettm $0x1  }
0x91: {  	s17 =	sld [smem:$0x3FFB];
	_ =	sdelay $0x3  }
0x92: {  	_ =	strace s17  }
0x93: {  	s2 =	sld [smem:$0x3FFC];
	_ =	sdelay $0x3  }
0x94: {  	_ =	strace s2  }
0x95: {  	s2 =	sld [smem:$0x3FFD];
	_ =	sdelay $0x3  }
0x96: {  	_ =	strace s2  }
0x97: {  	_ =	strace $0x8FFFFFFF  }
0x98: {  	s18 =	sld [smem:$0x3FDB];
	_ =	sdelay $0x1  }
0x99: {  	s19 =	simm.s32 $_scs_section_size  }
0x9a: {  	s4 =	simm.s32 $_size__tile_overlayer_lowered;
	s5 =	simm.s32 $_tile_overlayer_lowered  }
0x9b: {  	s22 =	simm.s32 $0x1BFF;
	s21 =	sshll.u32 s5, $0x1;
	s2 =	sadd.s32 s19, s18  }
0x9c: {  	s6 =	simm.s32 $0x0;
	s20 =	sshll.u32 s4, $0x1;
	s4 =	sadd.s32 s21, s2  }
0x9d: {  	[timem:s6], [sflag:s22] =	dma.local [hbm:s4], s20  }
0x9e: {  	_ =	swait.ge [sflag:s22], s20  }
0x9f: {  	s3 =	ssub.s32 $0x0, s20;
	[sflag:s22] =	ssyncset.done $0x0  }
0xa0: {  	[sflag:s22] =	ssyncadd.s32 s3;
	_ =	sdelay $0x1  }
0xa1: {  	s23 =	simm.s32 $0x1B8B  }
0xa2: {  	_ =	swait.ge [sflag:s23], $0x1  }
0xa3: {  	[sflag:s23] =	ssyncset.done $0x0  }
0xa4: {  	s25 =	simm.s32 $0x1B8E;
	s24 =	sld [smem:$0x3FFE];
	[sflag:s23] =	ssyncadd.s32 $0xFFFFFFFF  }
0xa5: {  	s26 =	simm.s32 $execute0_lowered;
	[smem:$0x3FD2] =	sst s25  }
0xa6: {  	s4 =	sshll.u32 s26, $0x1;
	_ =	strace $0x80000049;
	[dreg:$0x1] =	wrdreg $0xFFFFFFFF  }
0xa7: {  	s28 =	simm.s32 $_size_execute0_lowered;
	s2 =	sadd.s32 s2, s4;
	[dreg:$0x0] =	wrdreg $0x0  }
0xa8: {  	s4 =	sshll.u32 s28, $0x1;
	[dreg:$0x2] =	wrdreg s2  }
0xa9: {  	[dreg:$0x3] =	wrdreg s4  }
0xaa: {  	[dreg:$0x4] =	wrdreg $0xC0  }
0xab: {  	_ =	task [dreg:s6], $0x5FFFF  }
0xac: {  	[dreg:$0x1] =	wrdreg $0xFFFFFFFF  }
0xad: {  	[dreg:$0x0] =	wrdreg $0x60  }
0xae: {  	[dreg:$0x2] =	wrdreg s24  }
0xaf: {  	[dreg:$0x3] =	wrdreg $0xB0000  }
0xb0: {  	[dreg:$0x4] =	wrdreg $0x9  }
0xb1: {  	_ =	task.clear_ibuf [dreg:s6], $0x5FFFF;
	_ =	strace $0x90000049  }
0xb2: {  	s29 =	simm.s32 $0x9;
	_ =	strace $0x8000004B  }
0xb3: {  	_ =	swait.ge [sflag:s29], $0x1  }
0xb4: {  	[sflag:s29] =	ssyncadd.s32 $0xFFFFFFFF  }
0xb5: {  	_ =	strace $0x9000004B  }
0xb6: {  	_ =	sfence  }
0xb7: {  	s30 =	sld [smem:$0x0];
	_ =	sdelay $0x2  }
0xb8: {  	s31 =	sshll.u32 s1, $0xD;
	s1 =	sshrl.u32 s1, $0x2  }
0xb9: {  	s3 =	sand.u32 $0x4000, s31;
	s1 =	sadd.s32 s1, s30  }
0xba: {  	s0 =	sor.u32 s3, s0;
	s1 =	sshll.u32 s1, $0x11  }
0xbb: {  	s0 =	sor.u32 s1, s0  }
0xbc: {  	s0 =	sadd.s32 $0x8F2B, s0  }
0xbd: {  	[sflag:s0] =	ssyncadd.remote.s32 $0x1  }
0xbe: {  	_ =	sfence.sel $0xFFFF  }
0xbf: {  	[dreg:$0x0] =	wrdreg $0xFFFFFFFF;
	(pc) =	sbr.abs _section_cstart, $3  }
0xc0: {  	[dreg:$0x1] =	wrdreg $0xFFFFFFFF  }
0xc1: {  	_ =	task.clear_ibuf [dreg:s6], $0x2FFFF;
	_ =	strace $0x9FFFFFFF  }
0xc2: {  	(tm) =	ssettm $0x7FFFFFFF  }
0xc3: {  	_ =	shalt  }
tec
execute0_lowered:
.L_overlay_start_1:
0x0: {  	(tag) =	ssettag $0x1  }
0x1: {  	s0 =	rddreg [dreg:$0x0]  }
0x2: {  	s2 =	rddreg [dreg:$0x1];
	s3 =	simm.s32 $0x0;
	s13 =	stileid.u32  }
0x3: {  	s1 =	srdreg.scid;
	s18 =	simm.s32 $0x6;
	s19 =	simm.s32 $0x5  }
0x4: {  	s28 =	simm.s32 $0x6000;
	s29 =	simm.s32 $0x4;
	s30 =	simm.s32 $0x0  }
0x5: {  	[smem:$0x7FF] =	sst s3;
	s7 =	smul.u32 $0x14000, s13;
	s1 =	sand.u32 $0x1, s1  }
0x6: {  	s4 =	sadd.s32 $0x2CC00, s0;
	s5 =	sadd.s32 $0x1CC00, s0;
	s6 =	sadd.s32 $0xCC00, s0  }
0x7: {  	s23 =	sshll.u32 s13, $0xE;
	s24 =	smul.u32 $0x50000, s13;
	s26 =	sshll.u32 s13, $0x6  }
0x8: {  	s8 =	smul.u32 $0x140000, s1;
	s22 =	sshll.u32 s1, $0x12;
	s1 =	ssub.s32 $0x2, s1  }
0x9: {  	_ =	strace $0x8000004A;
	s9 =	sshrl.u32 s7, $0x3;
	s25 =	sshrl.u32 s1, $0x1  }
0xa: {  	s11 =	sshrl.u32 s24, $0x2;
	s10 =	sadd.s32 s9, s0;
	s7 =	sadd.s32 s7, s8  }
0xb: {  	s1 =	ssub.s32 s1, s25;
	s16 =	sadd.s32 s11, s2;
	s11 =	sor.u32 $0x1C06, s26  }
.Ltmp0:
0xc: {  	s8 =	sshrl.u32 s7, $0x3;
	s7 =	sor.u32 s23, s22;
	(pc) =	sbr.rel .LBB2_1-.Ltmp0, $4  }
0xd: {  	s10 =	sadd.s32 $0x54C00, s10;
	s15 =	smax.u32 s1, $0x1;
	s17 =	sshrl.u32 s16, $0x3  }
0xe: {  	s22 =	simm.s32 $0x50;
	s0 =	sadd.s32 s8, s0;
	s12 =	sshrl.u32 s7, $0x3  }
0xf: {  	s8 =	sadd.s32 s5, s12;
	s9 =	sadd.s32 s6, s12;
	s31 =	sor.u32 $0x80, s12  }
0x10: {  	s14 =	sadd.s32 $0x7CC00, s0;
	s12 =	sadd.s32 s5, s31;
	s13 =	sadd.s32 s6, s31  }
.LBB2_7:
0x11: {  	_ =	swait.ge [sflag:s29], $0x2800  }
0x12: {  	s30 =	sadd.s32 $0x1, s30;
	[sflag:s29] =	ssyncset.done $0x0  }
0x13: {  	p0 =	sne.s32 s30, s15;
	[sflag:s29] =	ssyncadd.s32 $0xFFFFD800  }
.Ltmp1:
0x14: {  	[bflag:$0x0] =	sbarrier.arrive $0xFFFF;
	(pc) =	sbr.rel @!p0 .LBB2_8-.Ltmp1, $4  }
0x15: {  	[hbm:s14], [sflag:s11] =	dma.local [spmem:s17], $0x2800  }
0x16: {  	_ =	swait.ge [sflag:s18], $0x2800  }
0x17: {  	[sflag:s18] =	ssyncset.done $0x0  }
0x18: {  	[sflag:s18] =	ssyncadd.s32 $0xFFFFD800  }
.LBB2_1:
0x19: {  	[tilespmem:s3], [sflag:$0x5] =	stream.linear.gather [hbm4b:s8+s3], $0x400, $0x38;
	[tilespmem:$0x1F000] =	vst v63  }
0x1a: {  	s0 =	simm.s32 $0x800  }
0x1b: {  	[tilespmem:s0], [sflag:$0x5] =	stream.linear.gather [hbm4b:s9+s3], $0x400, $0x38;
	[tilespmem:$0x1F000] =	vst v63  }
0x1c: {  	[spmem:s17], [sflag:s11] =	dma.local [hbm:s10], $0x2800  }
0x1d: {  	_ =	swait.ge [sflag:s18], $0x2800  }
0x1e: {  	[sflag:s18] =	ssyncset.done $0x0  }
0x1f: {  	[sflag:s18] =	ssyncadd.s32 $0xFFFFD800  }
0x20: {  	_ =	swait.ge [sflag:s19], $0x400  }
0x21: {  	[sflag:s19] =	ssyncset.done $0x0  }
0x22: {  	[sflag:s19] =	ssyncadd.s32 $0xFFFFFC00  }
0x23: {  	_ =	swait.ge [sflag:s19], $0x400  }
0x24: {  	[sflag:s19] =	ssyncset.done $0x0  }
0x25: {  	s21 =	simm.s32 $0x400;
	[sflag:s19] =	ssyncadd.s32 $0xFFFFFC00  }
0x26: {  	[tilespmem:s21], [sflag:$0x5] =	stream.linear.gather [hbm4b:s12+s3], $0x400, $0x38;
	[tilespmem:$0x1F000] =	vst v63  }
0x27: {  	s23 =	simm.s32 $0xC00  }
0x28: {  	[tilespmem:s23], [sflag:$0x5] =	stream.linear.gather [hbm4b:s13+s3], $0x400, $0x38;
	[tilespmem:$0x1F000] =	vst v63  }
0x29: {  	s24 =	simm.s32 $0x1000  }
0x2a: {  	[tilespmem:s24], [sflag:$0x1] =	stream.indirect.gather [hbm4b:s4+s22], $0x80, s3, s22, $0xb8;
	[tilespmem:$0x1F000] =	vst v63  }
0x2b: {  	s25 =	simm.s32 $0x80;
	s1 =	simm.s32 $0x3800  }
0x2c: {  	[tilespmem:s1], [sflag:$0x2] =	stream.indirect.gather [hbm4b:s4+s22], $0x80, s25, s22, $0xb8;
	[tilespmem:$0x1F000] =	vst v63  }
.Ltmp2:
0x2d: {  	_ = 	snop;
	(pc) =	sbr.rel .LBB2_2-.Ltmp2, $4  }
0x2e: {  	s26 =	simm.s32 $0x100  }
0x2f: {  	[tilespmem:s28], [sflag:$0x3] =	stream.indirect.gather [hbm4b:s4+s22], $0x80, s26, s22, $0xb8;
	[tilespmem:$0x1F000] =	vst v63  }
0x30: {  	[bflag:$0x0] =	sbarrier.arrive $0xFFFF  }
0x31: {  	s31 =	simm.s32 $0x600;
	s0 =	simm.s32 $0x0  }
.LBB2_3:
0x32: {  	s20 =	sadd.s32 $0x400, s16  }
0x33: {  	s21 =	sadd.s32 s7, s20  }
0x34: {  	s21 =	sshrl.u32 s21, $0x3  }
0x35: {  	s20 =	sand.u32 $0x400, s20;
	s23 =	sadd.s32 s5, s21  }
0x36: {  	[tilespmem:s20], [sflag:$0x5] =	stream.linear.gather [hbm4b:s23+s3], $0x400, $0x38;
	[tilespmem:$0x1F000] =	vst v63  }
0x37: {  	s21 =	sadd.s32 s6, s21;
	s20 =	sor.u32 $0x800, s20  }
0x38: {  	[tilespmem:s20], [sflag:$0x5] =	stream.linear.gather [hbm4b:s21+s3], $0x400, $0x38;
	[tilespmem:$0x1F000] =	vst v63  }
.LBB2_5:
0x39: {  	_ =	swait.ge [sflag:s29], $0x2800  }
0x3a: {  	[sflag:s29] =	ssyncset.done $0x0  }
0x3b: {  	[sflag:s29] =	ssyncadd.s32 $0xFFFFD800  }
.LBB2_6:
0x3c: {  	s20 =	smul.u32 $0xAB, s0;
	_ =	sdelay $0x1  }
0x3d: {  	s20 =	sshrl.u32 s20, $0x9  }
0x3e: {  	s20 =	sand.u32 $0x7F, s20  }
0x3f: {  	s20 =	smul.u32 $0x3, s20;
	_ =	sdelay $0x1  }
0x40: {  	s21 =	sadd.s32 $0x3, s0;
	p0 =	sgt.u32 s0, $0x7C;
	s20 =	ssub.s32 s0, s20  }
0x41: {  	s26 =	sand.u32 $0x3, s0;
	s24 =	smul.u32 @!p0 $0xAB, s21;
	s20 =	sand.u32 $0xFF, s20  }
0x42: {  	s23 =	sand.u32 @!p0 $0x7, s21;
	s25 =	sand.u32 @!p0 $0x3, s21;
	s20 =	sadd.s32 $0x1, s20  }
0x43: {  	p1 =	sne.s32 @!p0 s23, $0x0;
	s24 =	sshrl.u32 @!p0 s24, $0x9;
	_ =	swait.ge [sflag:s20], $0x2800  }
0x44: {  	p1 =	por p1, p0;
	s24 =	sand.u32 @!p0 $0x7F, s24;
	[sflag:s20] =	ssyncset.done $0x0  }
0x45: {  	s24 =	smul.u32 @!p0 $0x3, s24;
	[sflag:s20] =	ssyncadd.s32 $0xFFFFD800;
	s20 =	simm.s32 @!p1 $0x5  }
0x46: {  	s25 =	smul.u32 @!p0 $0xA000, s25;
	s23 =	sshll.u32 @!p0 s23, $0x7;
	_ =	swait.ge @!p1 [sflag:s20], $0x400  }
0x47: {  	s0 =	sadd.s32 $0x1, s0;
	s21 =	ssub.s32 @!p0 s21, s24;
	[sflag:s20] =	ssyncset.done @!p1 $0x0  }
0x48: {  	s24 =	sshrl.u32 @!p0 s25, $0x2;
	s25 =	sand.u32 @!p0 $0x1000, s31;
	[sflag:s20] =	ssyncadd.s32 @!p1 $0xFFFFFC00  }
0x49: {  	s21 =	sand.u32 @!p0 $0xFF, s21;
	s25 =	sshrl.u32 @!p0 s25, $0x2;
	_ =	swait.ge @!p1 [sflag:s20], $0x400  }
0x4a: {  	s24 =	sadd.s32 @!p0 $0x1000, s24;
	s23 =	sor.u32 @!p0 s23, s25;
	[sflag:s20] =	ssyncset.done @!p1 $0x0  }
0x4b: {  	s21 =	sadd.s32 @!p0 $0x1, s21;
	s25 =	simm.s32 @!p0 $0x50;
	[sflag:s20] =	ssyncadd.s32 @!p1 $0xFFFFFC00  }
0x4c: {  	[tilespmem:s24], [sflag:s21] =	stream.indirect.gather @!p0 [hbm4b:s4+s25], $0x80, s23, s25, $0xb8;
	[tilespmem:$0x1F000] =	vst v63  }
0x4d: {  	s26 =	smul.u32 $0xA000, s26;
	p0 =	sne.s32 s0, $0x80  }
.Ltmp3:
0x4e: {  	_ = 	snop;
	(pc) =	sbr.rel @!p0 .LBB2_7-.Ltmp3, $4  }
0x4f: {  	s16 =	sand.u32 $0x400, s16;
	s1 =	sshll.u32 s1, $0x7  }
0x50: {  	s1 =	sor.u32 s1, s16;
	s20 =	sshrl.u32 s26, $0x2  }
0x51: {  	s1 =	sor.u32 $0x800, s1;
	s31 =	sadd.s32 $0x200, s31;
	s26 =	sadd.s32 $0x1000, s20  }
0x52: {  	[spmem:s2] =	stream.indirect.scatter.add.f32 [tilespmem:s26], [sflag:$0x4], $0x80, s1, s22, $0xb8;
	[tilespmem:$0x1F000] =	vst v63  }
.LBB2_2:
0x53: {  	s1 =	sand.u32 $0x7, s0  }
0x54: {  	s16 =	sadd.s32 $0xFFFFFFFF, s0;
	p0 =	sne.s32 s1, $0x0  }
0x55: {  	p1 =	sgt.u32 @!p0 s16, $0x76  }
0x56: {  	p0 =	por p0, p1  }
.Ltmp4:
0x57: {  	_ = 	snop;
	(pc) =	sbr.rel @!p0 .LBB2_3-.Ltmp4, $3  }
0x58: {  	_ =	sdelay $0x1  }
0x59: {  	s26 =	sshrl.u32 s0, $0x3  }
0x5a: {  	s16 =	sshll.u32 s26, $0xA  }
0x5b: {  	p0 =	seq.s32 s0, $0x0  }
.Ltmp5:
0x5c: {  	_ = 	snop;
	(pc) =	sbr.rel @!p0 .LBB2_5-.Ltmp5, $4  }
.Ltmp6:
0x5d: {  	_ = 	snop;
	(pc) =	sbr.rel @p0 .LBB2_6-.Ltmp6, $4  }
0x5e: {  	_ = 	snop  }
0x5f: {  	_ = 	snop  }
0x60: {  	_ = 	snop  }
0x61: {  	_ = 	snop  }
.LBB2_8:
0x62: {  	_ =	sfence.sel $0x180000  }
0x63: {  	[bflag:$0x0] =	sbarrier.arrive $0xFFFF  }
0x64: {  	_ =	strace $0x9000004A  }
0x65: {  	s0 =	stileid.u32;
	[bflag:$0x2] =	sbarrier.arrive $0xFFFF  }
0x66: {  	p0 =	sne.s32 s0, $0x0;
	s0 =	rddreg [dreg:$0x2]  }
0x67: {  	s0 =	sadd.s32 @!p0 $0x100000, s0  }
0x68: {  	[sflag:s0] =	ssyncadd.tile.s32 @!p0 $0x1;
	_ =	shalt  }
.Lfunc_end2:
_tile_overlayer_lowered:
.L_overlay_start_2:
0x69: {  	(tag) =	ssettag $0x2  }
0x6a: {  	s0 =	rddreg [dreg:$0x0];
	s2 =	stileid.u32  }
0x6b: {  	s1 =	rddreg [dreg:$0x1];
	p0 =	sne.s32 s2, $0x0  }
0x6c: {  	s3 =	rddreg [dreg:$0x2];
	[bflag:$0x3] =	sbarrier.arrive $0xFFFF;
	s2 =	simm.s32 @!p0 $0x1C06  }
0x6d: {  	[timem:s3], [sflag:s2] =	dma.local @!p0 [hbm:s0], s1  }
0x6e: {  	s0 =	simm.s32 @!p0 $0x6  }
0x6f: {  	_ =	swait.ge @!p0 [sflag:s0], s1  }
0x70: {  	s1 =	ssub.s32 @!p0 $0x0, s1;
	[sflag:s0] =	ssyncset.done @!p0 $0x0  }
0x71: {  	[sflag:s0] =	ssyncadd.s32 @!p0 s1  }
0x72: {  	[bflag:$0x3] =	sbarrier.arrive $0xFFFF  }
0x73: {  	_ =	shalt  }

// kernel: kernel.14.cloned.1.call-start
scs
__scs_entry_jumppad:
0x0: {  	(pc) =	sbr.rel $0x88, $3  }
0x1: {  	(tag) =	ssettag $0x0;
	lr =	simm.s32 $0x1  }
0x2: {  	[smem:$0x3F99] =	sst lr;
	_ =	strace $0xD0000000  }
0x3: {  	_ = 	snop  }
0x4: {  	_ = 	snop  }
0x5: {  	_ = 	snop  }
0x6: {  	_ = 	snop  }
0x7: {  	_ = 	snop  }
__scs_overlays_trampoline_lowered:
0x8: {  	[smem:$0x3FA8] =	sst s0  }
0x9: {  	[smem:$0x3FA9] =	sst s1  }
0xa: {  	[smem:$0x3FAA] =	sst s2  }
0xb: {  	[smem:$0x3FAB] =	sst s3  }
0xc: {  	[smem:$0x3FAC] =	sst s4  }
0xd: {  	[smem:$0x3FAD] =	sst s5  }
0xe: {  	[smem:$0x3FAE] =	sst s6  }
0xf: {  	[smem:$0x3FAF] =	sst s7  }
0x10: {  	[smem:$0x3FB0] =	sst s8  }
0x11: {  	[smem:$0x3FB1] =	sst s9;
	s0 =	simm.s32 @!p0 $0x0  }
0x12: {  	s1 =	sld [smem:$0x3F97];
	s0 =	simm.s32 @p0 $0x1  }
0x13: {  	[smem:$0x3FB2] =	sst s0;
	s0 =	simm.s32 @!p1 $0x0  }
0x14: {  	s2 =	sld [smem:$0x3F96];
	s0 =	simm.s32 @p1 $0x1  }
0x15: {  	[smem:$0x3FB3] =	sst s0;
	s0 =	simm.s32 @!p2 $0x0  }
0x16: {  	s3 =	sld [smem:$0x3FDB];
	s0 =	simm.s32 @p2 $0x1  }
0x17: {  	s4 =	simm.s32 $0x1BF5;
	[smem:$0x3FB5] =	sst s0  }
0x18: {  	s0 =	sld [smem:$0x3F98];
	_ =	swait.ge [sflag:s4], $0x0  }
0x19: {  	s7 =	sld [smem:$0x3F99]  }
0x1a: {  	s8 =	sadd.s32 $0xFFFFE003, lr  }
0x1b: {  	s9 =	sadd.s32 $0xFFFFFEF7, lr;
	s5 =	simm.s32 $0xFFFFFFFF;
	p2 =	slt.u32 s8, $0xFFFFF086  }
0x1c: {  	p1 =	slt.u32 s9, $0xF7A;
	s5 =	simm.s32 @!p2 $0x0  }
0x1d: {  	s5 =	simm.s32 @p1 $0x1;
	p0 =	seq.s32 s7, s2  }
0x1e: {  	s7 =	smul.u32 @!p0 $0xF7A, s2;
	p2 =	seq.s32 @!p0 s5, $0x0  }
0x1f: {  	s9 =	smul.u32 $0xF7A, s1;
	s8 =	simm.s32 @!p0 $0x1BF5;
	p2 =	por !p2, p0  }
0x20: {  	[sflag:s8] =	ssyncset.s32 @!p0 $0xFFFFF086;
	s6 =	sadd.s32 @!p0 s3, s7;
	s7 =	simm.s32 @!p0 $0x108  }
0x21: {  	s3 =	sadd.s32 s3, s9;
	s6 =	sadd.s32 @!p0 $0x88, s6;
	s7 =	simm.s32 @p2 $0x1082  }
0x22: {  	[simem:s7], [sflag:s8] =	dma.local @!p0 [hbm:s6], $0xF7A  }
0x23: {  	s9 =	sor.u32 $0xD0000000, s2;
	s6 =	simm.s32 $0x108;
	_ =	swait.ge @!p0 [sflag:s8], $0x0  }
0x24: {  	s3 =	sadd.s32 $0x88, s3;
	s6 =	simm.s32 @!p1 $0x1082;
	[sflag:s4] =	ssyncset.s32 $0xFFFFF086  }
0x25: {  	[simem:s6], [sflag:s4] =	dma.local [hbm:s3], $0xF7A  }
0x26: {  	[smem:$0x3F99] =	sst s1;
	(tag) =	ssettag s2;
	_ =	strace s9  }
0x27: {  	s1 =	sld [smem:$0x3FA9]  }
0x28: {  	s2 =	sld [smem:$0x3FAA]  }
0x29: {  	s4 =	sld [smem:$0x3FAC]  }
0x2a: {  	p0 =	seq.s32 s5, $0x0;
	s5 =	sld [smem:$0x3FAD]  }
0x2b: {  	s6 =	sld [smem:$0x3FAE]  }
0x2c: {  	s7 =	sld [smem:$0x3FAF]  }
0x2d: {  	s3 =	simm.s32 $0x108;
	s8 =	sld [smem:$0x3FB0]  }
0x2e: {  	s3 =	simm.s32 @!p0 $0x1082;
	s9 =	sld [smem:$0x3FB1]  }
0x2f: {  	lr =	sadd.s32 s0, s3;
	s0 =	sld [smem:$0x3FA8]  }
0x30: {  	s3 =	sld [smem:$0x3FAB]  }
0x31: {  	[smem:$0x3FB4] =	sst s10  }
0x32: {  	s10 =	sld [smem:$0x3FB2];
	_ =	sdelay $0x3  }
0x33: {  	p0 =	seq.s32 s10, $0x1;
	s10 =	sld [smem:$0x3FB4];
	_ =	sdelay $0x3  }
0x34: {  	[smem:$0x3FB4] =	sst s10  }
0x35: {  	s10 =	sld [smem:$0x3FB3];
	_ =	sdelay $0x3  }
0x36: {  	p1 =	seq.s32 s10, $0x1;
	s10 =	sld [smem:$0x3FB4];
	_ =	sdelay $0x3  }
0x37: {  	[smem:$0x3FB4] =	sst s10  }
0x38: {  	s10 =	sld [smem:$0x3FB5]  }
0x39: {  	_ = 	snop;
	(pc) =	sbr.ind lr, $3  }
0x3a: {  	_ = 	snop  }
0x3b: {  	_ = 	snop  }
0x3c: {  	p2 =	seq.s32 s10, $0x1;
	s10 =	sld [smem:$0x3FB4]  }
0x3d: {  	_ =	shalt  }
0x3e: {  	_ =	shalt  }
0x3f: {  	_ =	shalt  }
0x40: {  	_ =	shalt  }
0x41: {  	_ =	shalt  }
0x42: {  	_ =	shalt  }
0x43: {  	_ =	shalt  }
0x44: {  	_ =	shalt  }
0x45: {  	_ =	shalt  }
0x46: {  	_ =	shalt  }
0x47: {  	_ =	shalt  }
0x48: {  	_ =	shalt  }
0x49: {  	_ =	shalt  }
0x4a: {  	_ =	shalt  }
0x4b: {  	_ =	shalt  }
0x4c: {  	_ =	shalt  }
0x4d: {  	_ =	shalt  }
0x4e: {  	_ =	shalt  }
0x4f: {  	_ =	shalt  }
0x50: {  	_ =	shalt  }
0x51: {  	_ =	shalt  }
0x52: {  	_ =	shalt  }
0x53: {  	_ =	shalt  }
0x54: {  	_ =	shalt  }
0x55: {  	_ =	shalt  }
0x56: {  	_ =	shalt  }
0x57: {  	_ =	shalt  }
0x58: {  	_ =	shalt  }
0x59: {  	_ =	shalt  }
0x5a: {  	_ =	shalt  }
0x5b: {  	_ =	shalt  }
0x5c: {  	_ =	shalt  }
0x5d: {  	_ =	shalt  }
0x5e: {  	_ =	shalt  }
0x5f: {  	_ =	shalt  }
0x60: {  	_ =	shalt  }
0x61: {  	_ =	shalt  }
0x62: {  	_ =	shalt  }
0x63: {  	_ =	shalt  }
0x64: {  	_ =	shalt  }
0x65: {  	_ =	shalt  }
0x66: {  	_ =	shalt  }
0x67: {  	_ =	shalt  }
0x68: {  	_ =	shalt  }
0x69: {  	_ =	shalt  }
0x6a: {  	_ =	shalt  }
0x6b: {  	_ =	shalt  }
0x6c: {  	_ =	shalt  }
0x6d: {  	_ =	shalt  }
0x6e: {  	_ =	shalt  }
0x6f: {  	_ =	shalt  }
0x70: {  	_ =	shalt  }
0x71: {  	_ =	shalt  }
0x72: {  	_ =	shalt  }
0x73: {  	_ =	shalt  }
0x74: {  	_ =	shalt  }
0x75: {  	_ =	shalt  }
0x76: {  	_ =	shalt  }
0x77: {  	_ =	shalt  }
0x78: {  	_ =	shalt  }
0x79: {  	_ =	shalt  }
0x7a: {  	_ =	shalt  }
0x7b: {  	_ =	shalt  }
0x7c: {  	_ =	shalt  }
0x7d: {  	_ =	shalt  }
0x7e: {  	_ =	shalt  }
0x7f: {  	_ =	shalt  }
0x80: {  	_ =	shalt  }
0x81: {  	_ =	shalt  }
0x82: {  	_ =	shalt  }
0x83: {  	_ =	shalt  }
0x84: {  	_ =	shalt  }
0x85: {  	_ =	shalt  }
0x86: {  	_ =	shalt  }
0x87: {  	_ =	shalt  }
.Lfunc_end0:
.L_simem_size_0:
called_computation.2_lowered:
.L_overlay_start_0:
0x88: {  	s2 =	sld [smem:$0x3FD9]  }
0x89: {  	s3 =	sld [smem:$0x3FFE];
	_ =	sdelay $0x1  }
0x8a: {  	s1 =	srdreg.scid  }
0x8b: {  	s0 =	sand.u32 $0x1, s1  }
0x8c: {  	s16 =	sshll.u32 s0, $0xA;
	s2 =	sadd.s32 s3, s2  }
0x8d: {  	s2 =	sadd.s32 s2, s16  }
0x8e: {  	[smem:$0x3FC0] =	sst s2  }
0x8f: {  	_ = 	snop  }
0x90: {  	(tm) =	ssettm $0x1  }
0x91: {  	s17 =	sld [smem:$0x3FFB];
	_ =	sdelay $0x3  }
0x92: {  	_ =	strace s17  }
0x93: {  	s2 =	sld [smem:$0x3FFC];
	_ =	sdelay $0x3  }
0x94: {  	_ =	strace s2  }
0x95: {  	s2 =	sld [smem:$0x3FFD];
	_ =	sdelay $0x3  }
0x96: {  	_ =	strace s2  }
0x97: {  	_ =	strace $0x8FFFFFFF  }
0x98: {  	s18 =	sld [smem:$0x3FDB];
	_ =	sdelay $0x1  }
0x99: {  	s19 =	simm.s32 $_scs_section_size  }
0x9a: {  	s4 =	simm.s32 $_size__tile_overlayer_lowered;
	s5 =	simm.s32 $_tile_overlayer_lowered  }
0x9b: {  	s22 =	simm.s32 $0x1BFF;
	s21 =	sshll.u32 s5, $0x1;
	s2 =	sadd.s32 s19, s18  }
0x9c: {  	s6 =	simm.s32 $0x0;
	s20 =	sshll.u32 s4, $0x1;
	s4 =	sadd.s32 s21, s2  }
0x9d: {  	[timem:s6], [sflag:s22] =	dma.local [hbm:s4], s20  }
0x9e: {  	_ =	swait.ge [sflag:s22], s20  }
0x9f: {  	s3 =	ssub.s32 $0x0, s20;
	[sflag:s22] =	ssyncset.done $0x0  }
0xa0: {  	[sflag:s22] =	ssyncadd.s32 s3;
	_ =	sdelay $0x1  }
0xa1: {  	s23 =	simm.s32 $0x1B8B  }
0xa2: {  	_ =	swait.ge [sflag:s23], $0x1  }
0xa3: {  	[sflag:s23] =	ssyncset.done $0x0  }
0xa4: {  	s25 =	simm.s32 $0x1B8E;
	s24 =	sld [smem:$0x3FFE];
	[sflag:s23] =	ssyncadd.s32 $0xFFFFFFFF  }
0xa5: {  	s26 =	simm.s32 $execute0_lowered;
	[smem:$0x3FD2] =	sst s25  }
0xa6: {  	s4 =	sshll.u32 s26, $0x1;
	_ =	strace $0x8000004C;
	[dreg:$0x1] =	wrdreg $0xFFFFFFFF  }
0xa7: {  	s28 =	simm.s32 $_size_execute0_lowered;
	s2 =	sadd.s32 s2, s4;
	[dreg:$0x0] =	wrdreg $0x0  }
0xa8: {  	s4 =	sshll.u32 s28, $0x1;
	[dreg:$0x2] =	wrdreg s2  }
0xa9: {  	[dreg:$0x3] =	wrdreg s4  }
0xaa: {  	[dreg:$0x4] =	wrdreg $0xC0  }
0xab: {  	_ =	task [dreg:s6], $0x5FFFF  }
0xac: {  	[dreg:$0x1] =	wrdreg $0xFFFFFFFF  }
0xad: {  	[dreg:$0x0] =	wrdreg $0x60  }
0xae: {  	[dreg:$0x2] =	wrdreg s24  }
0xaf: {  	[dreg:$0x3] =	wrdreg $0xB0000  }
0xb0: {  	[dreg:$0x4] =	wrdreg $0x9  }
0xb1: {  	_ =	task.clear_ibuf [dreg:s6], $0x5FFFF;
	_ =	strace $0x9000004C  }
0xb2: {  	s29 =	simm.s32 $0x9;
	_ =	strace $0x8000004E  }
0xb3: {  	_ =	swait.ge [sflag:s29], $0x1  }
0xb4: {  	[sflag:s29] =	ssyncadd.s32 $0xFFFFFFFF  }
0xb5: {  	_ =	strace $0x9000004E  }
0xb6: {  	_ =	sfence  }
0xb7: {  	s30 =	sld [smem:$0x0];
	_ =	sdelay $0x2  }
0xb8: {  	s31 =	sshll.u32 s1, $0xD;
	s1 =	sshrl.u32 s1, $0x2  }
0xb9: {  	s3 =	sand.u32 $0x4000, s31;
	s1 =	sadd.s32 s1, s30  }
0xba: {  	s0 =	sor.u32 s3, s0;
	s1 =	sshll.u32 s1, $0x11  }
0xbb: {  	s0 =	sor.u32 s1, s0  }
0xbc: {  	s0 =	sadd.s32 $0x8F2B, s0  }
0xbd: {  	[sflag:s0] =	ssyncadd.remote.s32 $0x1  }
0xbe: {  	_ =	sfence.sel $0xFFFF  }
0xbf: {  	[dreg:$0x0] =	wrdreg $0xFFFFFFFF;
	(pc) =	sbr.abs _section_cstart, $3  }
0xc0: {  	[dreg:$0x1] =	wrdreg $0xFFFFFFFF  }
0xc1: {  	_ =	task.clear_ibuf [dreg:s6], $0x2FFFF;
	_ =	strace $0x9FFFFFFF  }
0xc2: {  	(tm) =	ssettm $0x7FFFFFFF  }
0xc3: {  	_ =	shalt  }
tec
execute0_lowered:
.L_overlay_start_1:
0x0: {  	(tag) =	ssettag $0x1  }
0x1: {  	s0 =	rddreg [dreg:$0x0]  }
0x2: {  	s2 =	rddreg [dreg:$0x1];
	s3 =	simm.s32 $0x0;
	s13 =	stileid.u32  }
0x3: {  	s1 =	srdreg.scid;
	s18 =	simm.s32 $0x6;
	s19 =	simm.s32 $0x5  }
0x4: {  	s28 =	simm.s32 $0x6000;
	s29 =	simm.s32 $0x4;
	s30 =	simm.s32 $0x0  }
0x5: {  	[smem:$0x7FF] =	sst s3;
	s7 =	smul.u32 $0x14000, s13;
	s1 =	sand.u32 $0x1, s1  }
0x6: {  	s4 =	sadd.s32 $0x2CC00, s0;
	s5 =	sadd.s32 $0x1CC00, s0;
	s6 =	sadd.s32 $0xCC00, s0  }
0x7: {  	s23 =	sshll.u32 s13, $0xE;
	s24 =	smul.u32 $0x50000, s13;
	s26 =	sshll.u32 s13, $0x6  }
0x8: {  	s8 =	smul.u32 $0x140000, s1;
	s22 =	sshll.u32 s1, $0x12;
	s1 =	ssub.s32 $0x2, s1  }
0x9: {  	_ =	strace $0x8000004D;
	s9 =	sshrl.u32 s7, $0x3;
	s25 =	sshrl.u32 s1, $0x1  }
0xa: {  	s11 =	sshrl.u32 s24, $0x2;
	s10 =	sadd.s32 s9, s0;
	s7 =	sadd.s32 s7, s8  }
0xb: {  	s1 =	ssub.s32 s1, s25;
	s16 =	sadd.s32 s11, s2;
	s11 =	sor.u32 $0x1C06, s26  }
.Ltmp0:
0xc: {  	s8 =	sshrl.u32 s7, $0x3;
	s7 =	sor.u32 s23, s22;
	(pc) =	sbr.rel .LBB2_1-.Ltmp0, $4  }
0xd: {  	s10 =	sadd.s32 $0x54C00, s10;
	s15 =	smax.u32 s1, $0x1;
	s17 =	sshrl.u32 s16, $0x3  }
0xe: {  	s22 =	simm.s32 $0x50;
	s0 =	sadd.s32 s8, s0;
	s12 =	sshrl.u32 s7, $0x3  }
0xf: {  	s8 =	sadd.s32 s5, s12;
	s9 =	sadd.s32 s6, s12;
	s31 =	sor.u32 $0x80, s12  }
0x10: {  	s14 =	sadd.s32 $0x7CC00, s0;
	s12 =	sadd.s32 s5, s31;
	s13 =	sadd.s32 s6, s31  }
.LBB2_7:
0x11: {  	_ =	swait.ge [sflag:s29], $0x2800  }
0x12: {  	s30 =	sadd.s32 $0x1, s30;
	[sflag:s29] =	ssyncset.done $0x0  }
0x13: {  	p0 =	sne.s32 s30, s15;
	[sflag:s29] =	ssyncadd.s32 $0xFFFFD800  }
.Ltmp1:
0x14: {  	[bflag:$0x0] =	sbarrier.arrive $0xFFFF;
	(pc) =	sbr.rel @!p0 .LBB2_8-.Ltmp1, $4  }
0x15: {  	[hbm:s14], [sflag:s11] =	dma.local [spmem:s17], $0x2800  }
0x16: {  	_ =	swait.ge [sflag:s18], $0x2800  }
0x17: {  	[sflag:s18] =	ssyncset.done $0x0  }
0x18: {  	[sflag:s18] =	ssyncadd.s32 $0xFFFFD800  }
.LBB2_1:
0x19: {  	[tilespmem:s3], [sflag:$0x5] =	stream.linear.gather [hbm4b:s8+s3], $0x400, $0x38;
	[tilespmem:$0x1F000] =	vst v63  }
0x1a: {  	s0 =	simm.s32 $0x800  }
0x1b: {  	[tilespmem:s0], [sflag:$0x5] =	stream.linear.gather [hbm4b:s9+s3], $0x400, $0x38;
	[tilespmem:$0x1F000] =	vst v63  }
0x1c: {  	[spmem:s17], [sflag:s11] =	dma.local [hbm:s10], $0x2800  }
0x1d: {  	_ =	swait.ge [sflag:s18], $0x2800  }
0x1e: {  	[sflag:s18] =	ssyncset.done $0x0  }
0x1f: {  	[sflag:s18] =	ssyncadd.s32 $0xFFFFD800  }
0x20: {  	_ =	swait.ge [sflag:s19], $0x400  }
0x21: {  	[sflag:s19] =	ssyncset.done $0x0  }
0x22: {  	[sflag:s19] =	ssyncadd.s32 $0xFFFFFC00  }
0x23: {  	_ =	swait.ge [sflag:s19], $0x400  }
0x24: {  	[sflag:s19] =	ssyncset.done $0x0  }
0x25: {  	s21 =	simm.s32 $0x400;
	[sflag:s19] =	ssyncadd.s32 $0xFFFFFC00  }
0x26: {  	[tilespmem:s21], [sflag:$0x5] =	stream.linear.gather [hbm4b:s12+s3], $0x400, $0x38;
	[tilespmem:$0x1F000] =	vst v63  }
0x27: {  	s23 =	simm.s32 $0xC00  }
0x28: {  	[tilespmem:s23], [sflag:$0x5] =	stream.linear.gather [hbm4b:s13+s3], $0x400, $0x38;
	[tilespmem:$0x1F000] =	vst v63  }
0x29: {  	s24 =	simm.s32 $0x1000  }
0x2a: {  	[tilespmem:s24], [sflag:$0x1] =	stream.indirect.gather [hbm4b:s4+s22], $0x80, s3, s22, $0xb8;
	[tilespmem:$0x1F000] =	vst v63  }
0x2b: {  	s25 =	simm.s32 $0x80;
	s1 =	simm.s32 $0x3800  }
0x2c: {  	[tilespmem:s1], [sflag:$0x2] =	stream.indirect.gather [hbm4b:s4+s22], $0x80, s25, s22, $0xb8;
	[tilespmem:$0x1F000] =	vst v63  }
.Ltmp2:
0x2d: {  	_ = 	snop;
	(pc) =	sbr.rel .LBB2_2-.Ltmp2, $4  }
0x2e: {  	s26 =	simm.s32 $0x100  }
0x2f: {  	[tilespmem:s28], [sflag:$0x3] =	stream.indirect.gather [hbm4b:s4+s22], $0x80, s26, s22, $0xb8;
	[tilespmem:$0x1F000] =	vst v63  }
0x30: {  	[bflag:$0x0] =	sbarrier.arrive $0xFFFF  }
0x31: {  	s31 =	simm.s32 $0x600;
	s0 =	simm.s32 $0x0  }
.LBB2_3:
0x32: {  	s20 =	sadd.s32 $0x400, s16  }
0x33: {  	s21 =	sadd.s32 s7, s20  }
0x34: {  	s21 =	sshrl.u32 s21, $0x3  }
0x35: {  	s20 =	sand.u32 $0x400, s20;
	s23 =	sadd.s32 s5, s21  }
0x36: {  	[tilespmem:s20], [sflag:$0x5] =	stream.linear.gather [hbm4b:s23+s3], $0x400, $0x38;
	[tilespmem:$0x1F000] =	vst v63  }
0x37: {  	s21 =	sadd.s32 s6, s21;
	s20 =	sor.u32 $0x800, s20  }
0x38: {  	[tilespmem:s20], [sflag:$0x5] =	stream.linear.gather [hbm4b:s21+s3], $0x400, $0x38;
	[tilespmem:$0x1F000] =	vst v63  }
.LBB2_5:
0x39: {  	_ =	swait.ge [sflag:s29], $0x2800  }
0x3a: {  	[sflag:s29] =	ssyncset.done $0x0  }
0x3b: {  	[sflag:s29] =	ssyncadd.s32 $0xFFFFD800  }
.LBB2_6:
0x3c: {  	s20 =	smul.u32 $0xAB, s0;
	_ =	sdelay $0x1  }
0x3d: {  	s20 =	sshrl.u32 s20, $0x9  }
0x3e: {  	s20 =	sand.u32 $0x7F, s20  }
0x3f: {  	s20 =	smul.u32 $0x3, s20;
	_ =	sdelay $0x1  }
0x40: {  	s21 =	sadd.s32 $0x3, s0;
	p0 =	sgt.u32 s0, $0x7C;
	s20 =	ssub.s32 s0, s20  }
0x41: {  	s26 =	sand.u32 $0x3, s0;
	s24 =	smul.u32 @!p0 $0xAB, s21;
	s20 =	sand.u32 $0xFF, s20  }
0x42: {  	s23 =	sand.u32 @!p0 $0x7, s21;
	s25 =	sand.u32 @!p0 $0x3, s21;
	s20 =	sadd.s32 $0x1, s20  }
0x43: {  	p1 =	sne.s32 @!p0 s23, $0x0;
	s24 =	sshrl.u32 @!p0 s24, $0x9;
	_ =	swait.ge [sflag:s20], $0x2800  }
0x44: {  	p1 =	por p1, p0;
	s24 =	sand.u32 @!p0 $0x7F, s24;
	[sflag:s20] =	ssyncset.done $0x0  }
0x45: {  	s24 =	smul.u32 @!p0 $0x3, s24;
	[sflag:s20] =	ssyncadd.s32 $0xFFFFD800;
	s20 =	simm.s32 @!p1 $0x5  }
0x46: {  	s25 =	smul.u32 @!p0 $0xA000, s25;
	s23 =	sshll.u32 @!p0 s23, $0x7;
	_ =	swait.ge @!p1 [sflag:s20], $0x400  }
0x47: {  	s0 =	sadd.s32 $0x1, s0;
	s21 =	ssub.s32 @!p0 s21, s24;
	[sflag:s20] =	ssyncset.done @!p1 $0x0  }
0x48: {  	s24 =	sshrl.u32 @!p0 s25, $0x2;
	s25 =	sand.u32 @!p0 $0x1000, s31;
	[sflag:s20] =	ssyncadd.s32 @!p1 $0xFFFFFC00  }
0x49: {  	s21 =	sand.u32 @!p0 $0xFF, s21;
	s25 =	sshrl.u32 @!p0 s25, $0x2;
	_ =	swait.ge @!p1 [sflag:s20], $0x400  }
0x4a: {  	s24 =	sadd.s32 @!p0 $0x1000, s24;
	s23 =	sor.u32 @!p0 s23, s25;
	[sflag:s20] =	ssyncset.done @!p1 $0x0  }
0x4b: {  	s21 =	sadd.s32 @!p0 $0x1, s21;
	s25 =	simm.s32 @!p0 $0x50;
	[sflag:s20] =	ssyncadd.s32 @!p1 $0xFFFFFC00  }
0x4c: {  	[tilespmem:s24], [sflag:s21] =	stream.indirect.gather @!p0 [hbm4b:s4+s25], $0x80, s23, s25, $0xb8;
	[tilespmem:$0x1F000] =	vst v63  }
0x4d: {  	s26 =	smul.u32 $0xA000, s26;
	p0 =	sne.s32 s0, $0x80  }
.Ltmp3:
0x4e: {  	_ = 	snop;
	(pc) =	sbr.rel @!p0 .LBB2_7-.Ltmp3, $4  }
0x4f: {  	s16 =	sand.u32 $0x400, s16;
	s1 =	sshll.u32 s1, $0x7  }
0x50: {  	s1 =	sor.u32 s1, s16;
	s20 =	sshrl.u32 s26, $0x2  }
0x51: {  	s1 =	sor.u32 $0x800, s1;
	s31 =	sadd.s32 $0x200, s31;
	s26 =	sadd.s32 $0x1000, s20  }
0x52: {  	[spmem:s2] =	stream.indirect.scatter.add.f32 [tilespmem:s26], [sflag:$0x4], $0x80, s1, s22, $0xb8;
	[tilespmem:$0x1F000] =	vst v63  }
.LBB2_2:
0x53: {  	s1 =	sand.u32 $0x7, s0  }
0x54: {  	s16 =	sadd.s32 $0xFFFFFFFF, s0;
	p0 =	sne.s32 s1, $0x0  }
0x55: {  	p1 =	sgt.u32 @!p0 s16, $0x76  }
0x56: {  	p0 =	por p0, p1  }
.Ltmp4:
0x57: {  	_ = 	snop;
	(pc) =	sbr.rel @!p0 .LBB2_3-.Ltmp4, $3  }
0x58: {  	_ =	sdelay $0x1  }
0x59: {  	s26 =	sshrl.u32 s0, $0x3  }
0x5a: {  	s16 =	sshll.u32 s26, $0xA  }
0x5b: {  	p0 =	seq.s32 s0, $0x0  }
.Ltmp5:
0x5c: {  	_ = 	snop;
	(pc) =	sbr.rel @!p0 .LBB2_5-.Ltmp5, $4  }
.Ltmp6:
0x5d: {  	_ = 	snop;
	(pc) =	sbr.rel @p0 .LBB2_6-.Ltmp6, $4  }
0x5e: {  	_ = 	snop  }
0x5f: {  	_ = 	snop  }
0x60: {  	_ = 	snop  }
0x61: {  	_ = 	snop  }
.LBB2_8:
0x62: {  	_ =	sfence.sel $0x180000  }
0x63: {  	[bflag:$0x0] =	sbarrier.arrive $0xFFFF  }
0x64: {  	_ =	strace $0x9000004D  }
0x65: {  	s0 =	stileid.u32;
	[bflag:$0x2] =	sbarrier.arrive $0xFFFF  }
0x66: {  	p0 =	sne.s32 s0, $0x0;
	s0 =	rddreg [dreg:$0x2]  }
0x67: {  	s0 =	sadd.s32 @!p0 $0x100000, s0  }
0x68: {  	[sflag:s0] =	ssyncadd.tile.s32 @!p0 $0x1;
	_ =	shalt  }
.Lfunc_end2:
_tile_overlayer_lowered:
.L_overlay_start_2:
0x69: {  	(tag) =	ssettag $0x2  }
0x6a: {  	s0 =	rddreg [dreg:$0x0];
	s2 =	stileid.u32  }
0x6b: {  	s1 =	rddreg [dreg:$0x1];
	p0 =	sne.s32 s2, $0x0  }
0x6c: {  	s3 =	rddreg [dreg:$0x2];
	[bflag:$0x3] =	sbarrier.arrive $0xFFFF;
	s2 =	simm.s32 @!p0 $0x1C06  }
0x6d: {  	[timem:s3], [sflag:s2] =	dma.local @!p0 [hbm:s0], s1  }
0x6e: {  	s0 =	simm.s32 @!p0 $0x6  }
0x6f: {  	_ =	swait.ge @!p0 [sflag:s0], s1  }
0x70: {  	s1 =	ssub.s32 @!p0 $0x0, s1;
	[sflag:s0] =	ssyncset.done @!p0 $0x0  }
0x71: {  	[sflag:s0] =	ssyncadd.s32 @!p0 s1  }
0x72: {  	[bflag:$0x3] =	sbarrier.arrive $0xFFFF  }
0x73: {  	_ =	shalt  }

// kernel: kernel.8.cloned.1.call-start
scs
__scs_entry_jumppad:
0x0: {  	(pc) =	sbr.rel $0x88, $3  }
0x1: {  	(tag) =	ssettag $0x0;
	lr =	simm.s32 $0x1  }
0x2: {  	[smem:$0x3F99] =	sst lr;
	_ =	strace $0xD0000000  }
0x3: {  	_ = 	snop  }
0x4: {  	_ = 	snop  }
0x5: {  	_ = 	snop  }
0x6: {  	_ = 	snop  }
0x7: {  	_ = 	snop  }
__scs_overlays_trampoline_lowered:
0x8: {  	[smem:$0x3FA8] =	sst s0  }
0x9: {  	[smem:$0x3FA9] =	sst s1  }
0xa: {  	[smem:$0x3FAA] =	sst s2  }
0xb: {  	[smem:$0x3FAB] =	sst s3  }
0xc: {  	[smem:$0x3FAC] =	sst s4  }
0xd: {  	[smem:$0x3FAD] =	sst s5  }
0xe: {  	[smem:$0x3FAE] =	sst s6  }
0xf: {  	[smem:$0x3FAF] =	sst s7  }
0x10: {  	[smem:$0x3FB0] =	sst s8  }
0x11: {  	[smem:$0x3FB1] =	sst s9;
	s0 =	simm.s32 @!p0 $0x0  }
0x12: {  	s1 =	sld [smem:$0x3F97];
	s0 =	simm.s32 @p0 $0x1  }
0x13: {  	[smem:$0x3FB2] =	sst s0;
	s0 =	simm.s32 @!p1 $0x0  }
0x14: {  	s2 =	sld [smem:$0x3F96];
	s0 =	simm.s32 @p1 $0x1  }
0x15: {  	[smem:$0x3FB3] =	sst s0;
	s0 =	simm.s32 @!p2 $0x0  }
0x16: {  	s3 =	sld [smem:$0x3FDB];
	s0 =	simm.s32 @p2 $0x1  }
0x17: {  	s4 =	simm.s32 $0x1BF5;
	[smem:$0x3FB5] =	sst s0  }
0x18: {  	s0 =	sld [smem:$0x3F98];
	_ =	swait.ge [sflag:s4], $0x0  }
0x19: {  	s7 =	sld [smem:$0x3F99]  }
0x1a: {  	s8 =	sadd.s32 $0xFFFFE003, lr  }
0x1b: {  	s9 =	sadd.s32 $0xFFFFFEF7, lr;
	s5 =	simm.s32 $0xFFFFFFFF;
	p2 =	slt.u32 s8, $0xFFFFF086  }
0x1c: {  	p1 =	slt.u32 s9, $0xF7A;
	s5 =	simm.s32 @!p2 $0x0  }
0x1d: {  	s5 =	simm.s32 @p1 $0x1;
	p0 =	seq.s32 s7, s2  }
0x1e: {  	s7 =	smul.u32 @!p0 $0xF7A, s2;
	p2 =	seq.s32 @!p0 s5, $0x0  }
0x1f: {  	s9 =	smul.u32 $0xF7A, s1;
	s8 =	simm.s32 @!p0 $0x1BF5;
	p2 =	por !p2, p0  }
0x20: {  	[sflag:s8] =	ssyncset.s32 @!p0 $0xFFFFF086;
	s6 =	sadd.s32 @!p0 s3, s7;
	s7 =	simm.s32 @!p0 $0x108  }
0x21: {  	s3 =	sadd.s32 s3, s9;
	s6 =	sadd.s32 @!p0 $0x88, s6;
	s7 =	simm.s32 @p2 $0x1082  }
0x22: {  	[simem:s7], [sflag:s8] =	dma.local @!p0 [hbm:s6], $0xF7A  }
0x23: {  	s9 =	sor.u32 $0xD0000000, s2;
	s6 =	simm.s32 $0x108;
	_ =	swait.ge @!p0 [sflag:s8], $0x0  }
0x24: {  	s3 =	sadd.s32 $0x88, s3;
	s6 =	simm.s32 @!p1 $0x1082;
	[sflag:s4] =	ssyncset.s32 $0xFFFFF086  }
0x25: {  	[simem:s6], [sflag:s4] =	dma.local [hbm:s3], $0xF7A  }
0x26: {  	[smem:$0x3F99] =	sst s1;
	(tag) =	ssettag s2;
	_ =	strace s9  }
0x27: {  	s1 =	sld [smem:$0x3FA9]  }
0x28: {  	s2 =	sld [smem:$0x3FAA]  }
0x29: {  	s4 =	sld [smem:$0x3FAC]  }
0x2a: {  	p0 =	seq.s32 s5, $0x0;
	s5 =	sld [smem:$0x3FAD]  }
0x2b: {  	s6 =	sld [smem:$0x3FAE]  }
0x2c: {  	s7 =	sld [smem:$0x3FAF]  }
0x2d: {  	s3 =	simm.s32 $0x108;
	s8 =	sld [smem:$0x3FB0]  }
0x2e: {  	s3 =	simm.s32 @!p0 $0x1082;
	s9 =	sld [smem:$0x3FB1]  }
0x2f: {  	lr =	sadd.s32 s0, s3;
	s0 =	sld [smem:$0x3FA8]  }
0x30: {  	s3 =	sld [smem:$0x3FAB]  }
0x31: {  	[smem:$0x3FB4] =	sst s10  }
0x32: {  	s10 =	sld [smem:$0x3FB2];
	_ =	sdelay $0x3  }
0x33: {  	p0 =	seq.s32 s10, $0x1;
	s10 =	sld [smem:$0x3FB4];
	_ =	sdelay $0x3  }
0x34: {  	[smem:$0x3FB4] =	sst s10  }
0x35: {  	s10 =	sld [smem:$0x3FB3];
	_ =	sdelay $0x3  }
0x36: {  	p1 =	seq.s32 s10, $0x1;
	s10 =	sld [smem:$0x3FB4];
	_ =	sdelay $0x3  }
0x37: {  	[smem:$0x3FB4] =	sst s10  }
0x38: {  	s10 =	sld [smem:$0x3FB5]  }
0x39: {  	_ = 	snop;
	(pc) =	sbr.ind lr, $3  }
0x3a: {  	_ = 	snop  }
0x3b: {  	_ = 	snop  }
0x3c: {  	p2 =	seq.s32 s10, $0x1;
	s10 =	sld [smem:$0x3FB4]  }
0x3d: {  	_ =	shalt  }
0x3e: {  	_ =	shalt  }
0x3f: {  	_ =	shalt  }
0x40: {  	_ =	shalt  }
0x41: {  	_ =	shalt  }
0x42: {  	_ =	shalt  }
0x43: {  	_ =	shalt  }
0x44: {  	_ =	shalt  }
0x45: {  	_ =	shalt  }
0x46: {  	_ =	shalt  }
0x47: {  	_ =	shalt  }
0x48: {  	_ =	shalt  }
0x49: {  	_ =	shalt  }
0x4a: {  	_ =	shalt  }
0x4b: {  	_ =	shalt  }
0x4c: {  	_ =	shalt  }
0x4d: {  	_ =	shalt  }
0x4e: {  	_ =	shalt  }
0x4f: {  	_ =	shalt  }
0x50: {  	_ =	shalt  }
0x51: {  	_ =	shalt  }
0x52: {  	_ =	shalt  }
0x53: {  	_ =	shalt  }
0x54: {  	_ =	shalt  }
0x55: {  	_ =	shalt  }
0x56: {  	_ =	shalt  }
0x57: {  	_ =	shalt  }
0x58: {  	_ =	shalt  }
0x59: {  	_ =	shalt  }
0x5a: {  	_ =	shalt  }
0x5b: {  	_ =	shalt  }
0x5c: {  	_ =	shalt  }
0x5d: {  	_ =	shalt  }
0x5e: {  	_ =	shalt  }
0x5f: {  	_ =	shalt  }
0x60: {  	_ =	shalt  }
0x61: {  	_ =	shalt  }
0x62: {  	_ =	shalt  }
0x63: {  	_ =	shalt  }
0x64: {  	_ =	shalt  }
0x65: {  	_ =	shalt  }
0x66: {  	_ =	shalt  }
0x67: {  	_ =	shalt  }
0x68: {  	_ =	shalt  }
0x69: {  	_ =	shalt  }
0x6a: {  	_ =	shalt  }
0x6b: {  	_ =	shalt  }
0x6c: {  	_ =	shalt  }
0x6d: {  	_ =	shalt  }
0x6e: {  	_ =	shalt  }
0x6f: {  	_ =	shalt  }
0x70: {  	_ =	shalt  }
0x71: {  	_ =	shalt  }
0x72: {  	_ =	shalt  }
0x73: {  	_ =	shalt  }
0x74: {  	_ =	shalt  }
0x75: {  	_ =	shalt  }
0x76: {  	_ =	shalt  }
0x77: {  	_ =	shalt  }
0x78: {  	_ =	shalt  }
0x79: {  	_ =	shalt  }
0x7a: {  	_ =	shalt  }
0x7b: {  	_ =	shalt  }
0x7c: {  	_ =	shalt  }
0x7d: {  	_ =	shalt  }
0x7e: {  	_ =	shalt  }
0x7f: {  	_ =	shalt  }
0x80: {  	_ =	shalt  }
0x81: {  	_ =	shalt  }
0x82: {  	_ =	shalt  }
0x83: {  	_ =	shalt  }
0x84: {  	_ =	shalt  }
0x85: {  	_ =	shalt  }
0x86: {  	_ =	shalt  }
0x87: {  	_ =	shalt  }
.Lfunc_end0:
.L_simem_size_0:
called_computation_lowered:
.L_overlay_start_0:
0x88: {  	s2 =	sld [smem:$0x3FD9]  }
0x89: {  	s3 =	sld [smem:$0x3FFE];
	_ =	sdelay $0x1  }
0x8a: {  	s1 =	srdreg.scid  }
0x8b: {  	s0 =	sand.u32 $0x1, s1  }
0x8c: {  	s17 =	sshll.u32 s0, $0xA;
	s2 =	sadd.s32 s3, s2  }
0x8d: {  	s2 =	sadd.s32 s2, s17  }
0x8e: {  	[smem:$0x3FC0] =	sst s2  }
0x8f: {  	_ = 	snop  }
0x90: {  	s2 =	sld [smem:$0x3FD0];
	(tm) =	ssettm $0x1  }
0x91: {  	s18 =	sld [smem:$0x3FFB];
	_ =	sdelay $0x3  }
0x92: {  	_ =	strace s18  }
0x93: {  	s3 =	sld [smem:$0x3FFC];
	_ =	sdelay $0x3  }
0x94: {  	_ =	strace s3  }
0x95: {  	s3 =	sld [smem:$0x3FFD];
	_ =	sdelay $0x3  }
0x96: {  	_ =	strace s3  }
0x97: {  	_ =	strace $0x8FFFFFFF  }
0x98: {  	s19 =	sld [smem:$0x3FDB];
	_ =	sdelay $0x1  }
0x99: {  	s4 =	simm.s32 $_scs_section_size  }
0x9a: {  	s5 =	simm.s32 $_size__tile_overlayer_lowered;
	s6 =	simm.s32 $_tile_overlayer_lowered  }
0x9b: {  	s22 =	simm.s32 $0x1BFF;
	s21 =	sshll.u32 s6, $0x1;
	s3 =	sadd.s32 s4, s19  }
0x9c: {  	s7 =	simm.s32 $0x0;
	s20 =	sshll.u32 s5, $0x1;
	s5 =	sadd.s32 s21, s3  }
0x9d: {  	[timem:s7], [sflag:s22] =	dma.local [hbm:s5], s20  }
0x9e: {  	_ =	swait.ge [sflag:s22], s20  }
0x9f: {  	s4 =	ssub.s32 $0x0, s20;
	[sflag:s22] =	ssyncset.done $0x0  }
0xa0: {  	[sflag:s22] =	ssyncadd.s32 s4;
	_ =	sdelay $0x1  }
0xa1: {  	s23 =	simm.s32 $0x1B8B  }
0xa2: {  	_ =	swait.ge [sflag:s23], $0x1  }
0xa3: {  	[sflag:s23] =	ssyncset.done $0x0  }
0xa4: {  	s25 =	simm.s32 $0x1B8E;
	s24 =	sld [smem:$0x3FFE];
	[sflag:s23] =	ssyncadd.s32 $0xFFFFFFFF  }
0xa5: {  	s26 =	simm.s32 $execute0_lowered;
	[smem:$0x3FD2] =	sst s25  }
0xa6: {  	s5 =	sshll.u32 s26, $0x1;
	_ =	strace $0x80000046;
	[dreg:$0x1] =	wrdreg $0xFFFFFFFF  }
0xa7: {  	s28 =	simm.s32 $_size_execute0_lowered;
	s3 =	sadd.s32 s3, s5;
	[dreg:$0x0] =	wrdreg $0x0  }
0xa8: {  	s5 =	sshll.u32 s28, $0x1;
	[dreg:$0x2] =	wrdreg s3  }
0xa9: {  	[dreg:$0x3] =	wrdreg s5  }
0xaa: {  	[dreg:$0x4] =	wrdreg $0xC0  }
0xab: {  	_ =	task [dreg:s7], $0x5FFFF  }
0xac: {  	[dreg:$0x1] =	wrdreg $0xFFFFFFFF  }
0xad: {  	[dreg:$0x0] =	wrdreg $0x60  }
0xae: {  	[dreg:$0x2] =	wrdreg s2  }
0xaf: {  	[dreg:$0x3] =	wrdreg s24  }
0xb0: {  	[dreg:$0x4] =	wrdreg $0x9  }
0xb1: {  	_ =	task.clear_ibuf [dreg:s7], $0x5FFFF;
	_ =	strace $0x90000046  }
0xb2: {  	s29 =	simm.s32 $0x9;
	_ =	strace $0x80000048  }
0xb3: {  	_ =	swait.ge [sflag:s29], $0x1  }
0xb4: {  	[sflag:s29] =	ssyncadd.s32 $0xFFFFFFFF  }
0xb5: {  	_ =	strace $0x90000048  }
0xb6: {  	_ =	sfence  }
0xb7: {  	s30 =	sld [smem:$0x0];
	_ =	sdelay $0x2  }
0xb8: {  	s31 =	sshll.u32 s1, $0xD;
	s1 =	sshrl.u32 s1, $0x2  }
0xb9: {  	s3 =	sand.u32 $0x4000, s31;
	s1 =	sadd.s32 s1, s30  }
0xba: {  	s0 =	sor.u32 s3, s0;
	s1 =	sshll.u32 s1, $0x11  }
0xbb: {  	s0 =	sor.u32 s1, s0  }
0xbc: {  	s0 =	sadd.s32 $0x8F2B, s0  }
0xbd: {  	[sflag:s0] =	ssyncadd.remote.s32 $0x1  }
0xbe: {  	_ =	sfence.sel $0xFFFF  }
0xbf: {  	[dreg:$0x0] =	wrdreg $0xFFFFFFFF;
	(pc) =	sbr.abs _section_cstart, $3  }
0xc0: {  	[dreg:$0x1] =	wrdreg $0xFFFFFFFF  }
0xc1: {  	_ =	task.clear_ibuf [dreg:s7], $0x2FFFF;
	_ =	strace $0x9FFFFFFF  }
0xc2: {  	(tm) =	ssettm $0x7FFFFFFF  }
0xc3: {  	_ =	shalt  }
tec
execute0_lowered:
.L_overlay_start_1:
0x0: {  	(tag) =	ssettag $0x1  }
0x1: {  	s0 =	srdreg.scid  }
0x2: {  	s3 =	sand.u32 $0x1, s0  }
0x3: {  	s4 =	rddreg [dreg:$0x0];
	s0 =	stileid.u32;
	s1 =	sshll.u32 s3, $0x4  }
0x4: {  	s6 =	rddreg [dreg:$0x1];
	s2 =	simm.s32 $0x0;
	s1 =	sor.u32 s0, s1  }
0x5: {  	s8 =	simm.s32 $0x1;
	s9 =	simm.s32 $0x2800;
	s1 =	sshrl.u32 s1, $0x3  }
0x6: {  	s10 =	simm.s32 $0x0;
	s30 =	sshll.u32 s0, $0x7;
	s5 =	smul.u32 $0x14000, s1  }
0x7: {  	[smem:$0x7FF] =	sst s2;
	s3 =	ssub.s32 $0x2, s3;
	s7 =	sand.u32 $0x380, s30  }
0x8: {  	s31 =	sshrl.u32 s3, $0x1;
	s1 =	rddreg [dreg:$0x2];
	s5 =	sor.u32 s7, s5  }
0x9: {  	_ =	strace $0x80000047;
	s7 =	ssub.s32 s3, s31;
	s5 =	sshrl.u32 s5, $0x3  }
0xa: {  	s6 =	sadd.s32 s5, s6;
	s3 =	sadd.s32 s4, s5;
	s5 =	smax.u32 s7, $0x1  }
0xb: {  	v0 =	vimm.f32 $0.0e+00;
	v1 =	vimm.f32 $1.000000000e+00;
	s7 =	simm.s32 $0x400;
	s4 =	sadd.s32 $0x2C00, s6;
	s6 =	simm.s32 $0x80  }
.LBB2_1:
0xc: {  	[tilespmem:s2], [sflag:$0x1] =	stream.strided.gather [hbm4b:s3+s6], $0x2800, s7, s6, $0x38;
	[tilespmem:$0x5000] =	vst v63  }
0xd: {  	_ =	swait.ge [sflag:s8], $0x2800  }
0xe: {  	[sflag:s8] =	ssyncset.done $0x0  }
0xf: {  	s11 =	simm.s32 $0x0;
	[sflag:s8] =	ssyncadd.s32 $0xFFFFD800  }
.LBB2_2:
0x10: {  	p0 =	sne.s32 s11, $0x9FC0  }
.Ltmp0:
0x11: {  	_ = 	snop;
	(pc) =	sbr.rel @p0 .LBB2_2-.Ltmp0, $3  }
0x12: {  	_ =	sdelay $0x1  }
0x13: {  	s12 =	sshra.s32 s11, $0x2  }
0x14: {  	s11 =	sadd.s32 $0x40, s11;
	[tilespmem:s12+$0x2800] =	vst v0  }
0x15: {  	s12 =	simm.s32 $0x0;
	s11 =	simm.s32 $0x40  }
.LBB2_4:
0x16: {  	p0 =	sne.s32 s11, $0x9FC0;
	v2 =	vld [tilespmem:s12+$0x0];
	_ =	sdelay $0x3  }
.Ltmp1:
0x17: {  	(pc) =	sbr.rel @p0 .LBB2_4-.Ltmp1, $2  }
0x18: {  	_ =	sdelay $0x2  }
0x19: {  	s12 =	sshra.s32 s11, $0x2;
	s11 =	sadd.s32 $0x40, s11;
	[tilespmem:v2+s9+$0x0] =	vst.idx.add.f32.msk $0xffff, v1  }
0x1a: {  	v2 =	vld [tilespmem:s12+$0x0];
	_ =	sdelay $0x5  }
0x1b: {  	s10 =	sadd.s32 $0x1, s10  }
0x1c: {  	p0 =	sne.s32 s10, s5  }
.Ltmp2:
0x1d: {  	[tilespmem:v2+s9+$0x0] =	vst.idx.add.f32.msk $0xffff, v1;
	(pc) =	sbr.rel @p0 .LBB2_1-.Ltmp2, $4  }
0x1e: {  	[hbm4b:s4+s6] =	stream.strided.scatter [tilespmem:s9], [sflag:$0x1], $0x2800, s7, s6, $0x38;
	[tilespmem:$0x5000] =	vst v63  }
0x1f: {  	_ =	swait.ge [sflag:s8], $0x2800  }
0x20: {  	[sflag:s8] =	ssyncset.done $0x0  }
0x21: {  	[sflag:s8] =	ssyncadd.s32 $0xFFFFD800  }
0x22: {  	_ =	sfence.sel $0x180000  }
0x23: {  	[bflag:$0x0] =	sbarrier.arrive $0xFFFF  }
0x24: {  	p0 =	sne.s32 s0, $0x0;
	_ =	strace $0x90000047  }
0x25: {  	s0 =	sadd.s32 @!p0 $0x100000, s1;
	[bflag:$0x2] =	sbarrier.arrive $0xFFFF  }
0x26: {  	[sflag:s0] =	ssyncadd.tile.s32 @!p0 $0x1;
	_ =	shalt  }
.Lfunc_end2:
_tile_overlayer_lowered:
.L_overlay_start_2:
0x27: {  	(tag) =	ssettag $0x2  }
0x28: {  	s0 =	rddreg [dreg:$0x0];
	s2 =	stileid.u32  }
0x29: {  	s1 =	rddreg [dreg:$0x1];
	p0 =	sne.s32 s2, $0x0  }
0x2a: {  	s3 =	rddreg [dreg:$0x2];
	[bflag:$0x3] =	sbarrier.arrive $0xFFFF;
	s2 =	simm.s32 @!p0 $0x1C01  }
0x2b: {  	[timem:s3], [sflag:s2] =	dma.local @!p0 [hbm:s0], s1  }
0x2c: {  	s0 =	simm.s32 @!p0 $0x1  }
0x2d: {  	_ =	swait.ge @!p0 [sflag:s0], s1  }
0x2e: {  	s1 =	ssub.s32 @!p0 $0x0, s1;
	[sflag:s0] =	ssyncset.done @!p0 $0x0  }
0x2f: {  	[sflag:s0] =	ssyncadd.s32 @!p0 s1  }
0x30: {  	[bflag:$0x3] =	sbarrier.arrive $0xFFFF  }
0x31: {  	_ =	shalt  }

</sc_bundles>
